<compile_context>
chip_gen: v7x
topology: tpu7x:2x2x1
jax: 0.10.2.dev20260603
libtpu: 0.0.44.dev20260713+nightly
codegen_flags: <defaults>
</compile_context>

<pallas_src>
import functools

import jax
import jax.numpy as jnp
from jax import lax
from jax.experimental import pallas as pl
from jax.experimental.pallas import tpu as pltpu
from jax.experimental.pallas import tpu_sc as plsc

LMAX = 3
CMAX = 128

_N = 50000
_D = (LMAX + 1) * CMAX
_J = CMAX * (LMAX + 1) ** 2

_NC = 2
_NS = 16
_NW = _NC * _NS

_C = 16
_NB = 3
_NCHUNK = _N // _C
_ITERS = -(-_NCHUNK // _NW)
_OUTER = -(-_ITERS // _NB)


def _sc_body(x_hbm, idx_hbm, out_hbm, idx_v, xb0, xb1, xb2, ob0, ob1, ob2,
             sin0, sin1, sin2, sout0, sout1, sout2):
    w = lax.axis_index("s") * _NC + lax.axis_index("c")
    pltpu.sync_copy(idx_hbm, idx_v)
    xbs, obs = (xb0, xb1, xb2), (ob0, ob1, ob2)
    sins, souts = (sin0, sin1, sin2), (sout0, sout1, sout2)

    def valid(k):
        return (w + k * _NW) < _NCHUNK

    def base(k):
        return (w + k * _NW) * _C

    def start_in(k, b):
        @pl.when(valid(k))
        def _():
            pltpu.async_copy(x_hbm.at[pl.ds(base(k), _C), :], xbs[b], sins[b])

    def wait_in(b):
        pltpu.make_async_copy(x_hbm.at[pl.ds(0, _C), :], xbs[b], sins[b]).wait()

    def start_out(k, b):
        pltpu.async_copy(obs[b], out_hbm.at[pl.ds(base(k), _C), :], souts[b])

    def wait_out(b):
        pltpu.make_async_copy(obs[b], out_hbm.at[pl.ds(0, _C), :], souts[b]).wait()

    def compute(b):
        xb, ob = xbs[b], obs[b]

        @plsc.parallel_loop(0, _J // 16)
        def _g(g):
            idx_vec = idx_v[pl.ds(g * 16, 16)]
            for r in range(_C):
                row = jnp.full((16,), r, jnp.int32)
                ob[r, pl.ds(g * 16, 16)] = plsc.load_gather(xb, [row, idx_vec])

    for k0 in range(_NB - 1):
        start_in(k0, k0)

    def outer(kk, carry):
        for b0 in range(_NB):
            k = kk * _NB + b0
            b = b0

            @pl.when(valid(k))
            def _():
                wait_in(b)

            @pl.when((k >= _NB) & valid(k - _NB))
            def _():
                wait_out(b)

            @pl.when(valid(k))
            def _():
                compute(b)
                start_out(k, b)

            start_in(k + _NB - 1, (b0 + _NB - 1) % _NB)

        return carry

    lax.fori_loop(0, _OUTER, outer, 0)

    for kf in range(_OUTER * _NB - _NB, _OUTER * _NB):
        @pl.when(valid(kf))
        def _():
            wait_out(kf % _NB)


def kernel(x, indices):
    n, d = x.shape
    assert n == _N and d == _D
    mesh = plsc.VectorSubcoreMesh(core_axis_name="c", subcore_axis_name="s")
    sc = functools.partial(
        pl.kernel,
        mesh=mesh,
        out_type=jax.ShapeDtypeStruct((_N, _J), jnp.float32),
        scratch_types=[
            pltpu.VMEM((_J,), jnp.int32),
            pltpu.VMEM((_C, _D), jnp.float32),
            pltpu.VMEM((_C, _D), jnp.float32),
            pltpu.VMEM((_C, _D), jnp.float32),
            pltpu.VMEM((_C, _J), jnp.float32),
            pltpu.VMEM((_C, _J), jnp.float32),
            pltpu.VMEM((_C, _J), jnp.float32),
            pltpu.SemaphoreType.DMA,
            pltpu.SemaphoreType.DMA,
            pltpu.SemaphoreType.DMA,
            pltpu.SemaphoreType.DMA,
            pltpu.SemaphoreType.DMA,
            pltpu.SemaphoreType.DMA,
        ],
        compiler_params=pltpu.CompilerParams(
            needs_layout_passes=False,
            use_tc_tiling_on_sc=True,
        ),
    )(_sc_body)
    return sc(x, indices.astype(jnp.int32))

# --- scband reference (transcript-rebuilt; emitter-appended) ---
"""Pipeline reference for scband-broadcast-gtotensor-55009941127331 (READ-ONLY COPY).

The authoritative reference and input builder live on the scoring server;
editing this copy changes nothing except your own understanding.
"""

import jax, jax.numpy as jnp
import numpy as np

LMAX = 3
CMAX = 128

def _generate_lc2lcm_indices(lmax, cmax):
    idx = [l * cmax + c for l in range(lmax + 1) for c in range(cmax) for _ in range(2 * l + 1)]
    return jnp.asarray(np.array(idx, dtype=np.int64))

def setup_inputs(seed: int = 0) -> dict:
    key = jax.random.key(seed)
    x = jax.random.normal(key, (50000, (LMAX + 1) * CMAX), dtype=jnp.float32)
    indices = _generate_lc2lcm_indices(LMAX, CMAX)
    return {"x": x, "indices": indices}

def reference(x, indices):
    # BroadcastGTOTensor forward: src='lc' != dst='lcm', so gather along last axis
    src_dim = (LMAX + 1) * CMAX
    assert x.shape[-1] == src_dim
    return jnp.take(x, indices, axis=-1)

if __name__ == "__main__":
    import jax
    _d = setup_inputs()
    print(jax.jit(kernel)(*tuple(_d.values())))

</pallas_src>

<mosaic_0001>
#map = affine_map<(d0, d1) -> (0, 0)>
#map1 = affine_map<(d0, d1) -> (0)>
module attributes {stable_mosaic.version = 14 : i64} {
  func.func @_sc_body(%arg0: i32, %arg1: i32, %arg2: memref<50000x512xf32, #tpu.memory_space<hbm>>, %arg3: memref<2048xi32, #tpu.memory_space<hbm>>, %arg4: memref<50000x2048xf32, #tpu.memory_space<hbm>>, %arg5: memref<2048xi32, #tpu.memory_space<vmem>>, %arg6: memref<16x512xf32, #tpu.memory_space<vmem>>, %arg7: memref<16x512xf32, #tpu.memory_space<vmem>>, %arg8: memref<16x512xf32, #tpu.memory_space<vmem>>, %arg9: memref<16x2048xf32, #tpu.memory_space<vmem>>, %arg10: memref<16x2048xf32, #tpu.memory_space<vmem>>, %arg11: memref<16x2048xf32, #tpu.memory_space<vmem>>, %arg12: memref<!tpu.dma_semaphore, #tpu.memory_space<semaphore_mem>>, %arg13: memref<!tpu.dma_semaphore, #tpu.memory_space<semaphore_mem>>, %arg14: memref<!tpu.dma_semaphore, #tpu.memory_space<semaphore_mem>>, %arg15: memref<!tpu.dma_semaphore, #tpu.memory_space<semaphore_mem>>, %arg16: memref<!tpu.dma_semaphore, #tpu.memory_space<semaphore_mem>>, %arg17: memref<!tpu.dma_semaphore, #tpu.memory_space<semaphore_mem>>) attributes {dimension_semantics = [#tpu.dimension_semantics<core_parallel>, #tpu.dimension_semantics<subcore_parallel>], iteration_bounds = array<i64: 2, 16>, scalar_prefetch = 0 : i64, scratch_operands = 13 : i64, tpu.core_type = #tpu.core_type<sc_vector_subcore>, window_params = [{transform_indices = #map}, {transform_indices = #map1}, {transform_indices = #map}]} {
    %mul3A = arith.constant 2 : i32
    %mul3A_0 = arith.muli %arg1, %mul3A : i32
    %add3A = arith.addi %mul3A_0, %arg0 : i32
    "tpu.region"() ({
      %run_scoped3A = tpu.sem_alloc : memref<!tpu.dma_semaphore, #tpu.memory_space<semaphore_mem>>
      tpu.enqueue_dma source(%arg3 : memref<2048xi32, #tpu.memory_space<hbm>>) target(%arg5 : memref<2048xi32, #tpu.memory_space<vmem>>) target_semaphore(%run_scoped3A : memref<!tpu.dma_semaphore, #tpu.memory_space<semaphore_mem>>)
      tpu.wait_dma2 semaphore(%run_scoped3A : memref<!tpu.dma_semaphore, #tpu.memory_space<semaphore_mem>>) src(%arg3 : memref<2048xi32, #tpu.memory_space<hbm>>) dst(%arg5 : memref<2048xi32, #tpu.memory_space<vmem>>)
      tpu.yield
    }) : () -> ()
    %add3A_1 = arith.constant 0 : i32
    %add3A_2 = arith.addi %add3A, %add3A_1 : i32
    %lt3A = arith.constant 3125 : i32
    %lt3A_3 = arith.cmpi slt, %add3A_2, %lt3A : i32
    %convert_element_type3A = arith.extui %lt3A_3 : i1 to i32
    %cond3A = arith.constant 0 : i32
    %cond3A_4 = arith.cmpi ne, %convert_element_type3A, %cond3A : i32
    scf.if %cond3A_4 {
      %add3A_38 = arith.constant 0 : i32
      %add3A_39 = arith.addi %add3A, %add3A_38 : i32
      %mul3A_40 = arith.constant 16 : i32
      %mul3A_41 = arith.muli %add3A_39, %mul3A_40 : i32
      %dma_start3A = arith.constant 0 : i32
      %dma_start3A_42 = tpu.memref_slice %arg2[%mul3A_41, %dma_start3A] : memref<50000x512xf32, #tpu.memory_space<hbm>> -> memref<16x512xf32, #tpu.memory_space<hbm>>
      %dma_start3A_43 = arith.constant 0 : i32
      %dma_start3A_44 = tpu.memref_slice %arg2[%mul3A_41, %dma_start3A_43] : memref<50000x512xf32, #tpu.memory_space<hbm>> -> memref<16x512xf32, #tpu.memory_space<hbm>>
      tpu.enqueue_dma source(%dma_start3A_44 : memref<16x512xf32, #tpu.memory_space<hbm>>) target(%arg6 : memref<16x512xf32, #tpu.memory_space<vmem>>) target_semaphore(%arg12 : memref<!tpu.dma_semaphore, #tpu.memory_space<semaphore_mem>>)
    } else {
    }
    %add3A_5 = arith.constant 32 : i32
    %add3A_6 = arith.addi %add3A, %add3A_5 : i32
    %lt3A_7 = arith.constant 3125 : i32
    %lt3A_8 = arith.cmpi slt, %add3A_6, %lt3A_7 : i32
    %convert_element_type3A_9 = arith.extui %lt3A_8 : i1 to i32
    %cond3A_10 = arith.constant 0 : i32
    %cond3A_11 = arith.cmpi ne, %convert_element_type3A_9, %cond3A_10 : i32
    scf.if %cond3A_11 {
      %add3A_38 = arith.constant 32 : i32
      %add3A_39 = arith.addi %add3A, %add3A_38 : i32
      %mul3A_40 = arith.constant 16 : i32
      %mul3A_41 = arith.muli %add3A_39, %mul3A_40 : i32
      %dma_start3A = arith.constant 0 : i32
      %dma_start3A_42 = tpu.memref_slice %arg2[%mul3A_41, %dma_start3A] : memref<50000x512xf32, #tpu.memory_space<hbm>> -> memref<16x512xf32, #tpu.memory_space<hbm>>
      %dma_start3A_43 = arith.constant 0 : i32
      %dma_start3A_44 = tpu.memref_slice %arg2[%mul3A_41, %dma_start3A_43] : memref<50000x512xf32, #tpu.memory_space<hbm>> -> memref<16x512xf32, #tpu.memory_space<hbm>>
      tpu.enqueue_dma source(%dma_start3A_44 : memref<16x512xf32, #tpu.memory_space<hbm>>) target(%arg7 : memref<16x512xf32, #tpu.memory_space<vmem>>) target_semaphore(%arg13 : memref<!tpu.dma_semaphore, #tpu.memory_space<semaphore_mem>>)
    } else {
    }
    %scan3A = arith.constant 0 : i32
    %scan3A_12 = arith.constant 0 : i32
    %scan3A_13 = arith.constant 33 : i32
    %scan3A_14 = arith.addi %scan3A_12, %scan3A_13 : i32
    %scan3A_15 = arith.constant 1 : i32
    scf.for %scan3A_38 = %scan3A_12 to %scan3A_14 step %scan3A_15  : i32 {
      %mul3A_39 = arith.constant 3 : i32
      %mul3A_40 = arith.muli %scan3A_38, %mul3A_39 : i32
      %add3A_41 = arith.constant 0 : i32
      %add3A_42 = arith.addi %mul3A_40, %add3A_41 : i32
      %mul3A_43 = arith.constant 32 : i32
      %mul3A_44 = arith.muli %add3A_42, %mul3A_43 : i32
      %add3A_45 = arith.addi %add3A, %mul3A_44 : i32
      %lt3A_46 = arith.constant 3125 : i32
      %lt3A_47 = arith.cmpi slt, %add3A_45, %lt3A_46 : i32
      %convert_element_type3A_48 = arith.extui %lt3A_47 : i1 to i32
      %cond3A_49 = arith.constant 0 : i32
      %cond3A_50 = arith.cmpi ne, %convert_element_type3A_48, %cond3A_49 : i32
      scf.if %cond3A_50 {
        %dma_wait3A = arith.constant 0 : i32
        %dma_wait3A_171 = arith.constant 0 : i32
        %dma_wait3A_172 = tpu.memref_slice %arg2[%dma_wait3A, %dma_wait3A_171] : memref<50000x512xf32, #tpu.memory_space<hbm>> -> memref<16x512xf32, #tpu.memory_space<hbm>>
        %dma_wait3A_173 = arith.constant 0 : i32
        %dma_wait3A_174 = arith.constant 0 : i32
        %dma_wait3A_175 = tpu.memref_slice %arg2[%dma_wait3A_173, %dma_wait3A_174] : memref<50000x512xf32, #tpu.memory_space<hbm>> -> memref<16x512xf32, #tpu.memory_space<hbm>>
        tpu.wait_dma2 semaphore(%arg12 : memref<!tpu.dma_semaphore, #tpu.memory_space<semaphore_mem>>) src(%dma_wait3A_175 : memref<16x512xf32, #tpu.memory_space<hbm>>) dst(%arg6 : memref<16x512xf32, #tpu.memory_space<vmem>>)
      } else {
      }
      %ge3A = arith.constant 3 : i32
      %ge3A_51 = arith.cmpi sge, %add3A_42, %ge3A : i32
      %sub3A = arith.constant 3 : i32
      %sub3A_52 = arith.subi %add3A_42, %sub3A : i32
      %mul3A_53 = arith.constant 32 : i32
      %mul3A_54 = arith.muli %sub3A_52, %mul3A_53 : i32
      %add3A_55 = arith.addi %add3A, %mul3A_54 : i32
      %lt3A_56 = arith.constant 3125 : i32
      %lt3A_57 = arith.cmpi slt, %add3A_55, %lt3A_56 : i32
      %and3A = arith.andi %ge3A_51, %lt3A_57 : i1
      %convert_element_type3A_58 = arith.extui %and3A : i1 to i32
      %cond3A_59 = arith.constant 0 : i32
      %cond3A_60 = arith.cmpi ne, %convert_element_type3A_58, %cond3A_59 : i32
      scf.if %cond3A_60 {
        %dma_wait3A = arith.constant 0 : i32
        %dma_wait3A_171 = arith.constant 0 : i32
        %dma_wait3A_172 = tpu.memref_slice %arg4[%dma_wait3A, %dma_wait3A_171] : memref<50000x2048xf32, #tpu.memory_space<hbm>> -> memref<16x2048xf32, #tpu.memory_space<hbm>>
        %dma_wait3A_173 = arith.constant 0 : i32
        %dma_wait3A_174 = arith.constant 0 : i32
        %dma_wait3A_175 = tpu.memref_slice %arg4[%dma_wait3A_173, %dma_wait3A_174] : memref<50000x2048xf32, #tpu.memory_space<hbm>> -> memref<16x2048xf32, #tpu.memory_space<hbm>>
        tpu.wait_dma2 semaphore(%arg15 : memref<!tpu.dma_semaphore, #tpu.memory_space<semaphore_mem>>) src(%arg9 : memref<16x2048xf32, #tpu.memory_space<vmem>>) dst(%dma_wait3A_175 : memref<16x2048xf32, #tpu.memory_space<hbm>>)
      } else {
      }
      %mul3A_61 = arith.constant 32 : i32
      %mul3A_62 = arith.muli %add3A_42, %mul3A_61 : i32
      %add3A_63 = arith.addi %add3A, %mul3A_62 : i32
      %lt3A_64 = arith.constant 3125 : i32
      %lt3A_65 = arith.cmpi slt, %add3A_63, %lt3A_64 : i32
      %convert_element_type3A_66 = arith.extui %lt3A_65 : i1 to i32
      %cond3A_67 = arith.constant 0 : i32
      %cond3A_68 = arith.cmpi ne, %convert_element_type3A_66, %cond3A_67 : i32
      scf.if %cond3A_68 {
        %parallel_loop3A = arith.constant 0 : i32
        %parallel_loop3A_171 = arith.constant 128 : i32
        %parallel_loop3A_172 = arith.constant 1 : i32
        scf.for %parallel_loop3A_181 = %parallel_loop3A to %parallel_loop3A_171 step %parallel_loop3A_172  : i32 {
          %parallel_loop3A_182 = arith.constant 16 : i32
          %parallel_loop3A_183 = arith.muli %parallel_loop3A_181, %parallel_loop3A_182 : i32
          %parallel_loop3A_184 = arith.index_cast %parallel_loop3A_183 : i32 to index
          %parallel_loop3A_185 = tpu.vector_load %arg5[%parallel_loop3A_184] {strides = array<i32>} : memref<2048xi32, #tpu.memory_space<vmem>>, vector<16xi32>,
          %parallel_loop3A_186 = arith.constant 0 : i32
          %parallel_loop3A_187 = vector.broadcast %parallel_loop3A_186 : i32 to vector<16xi32>
          %parallel_loop3A_188 = tpu.vector_load_idx %arg6[%parallel_loop3A_187, %parallel_loop3A_185] : memref<16x512xf32, #tpu.memory_space<vmem>>[vector<16xi32>, vector<16xi32>], vector<16xf32>,
          %parallel_loop3A_189 = arith.constant 16 : i32
          %parallel_loop3A_190 = arith.muli %parallel_loop3A_181, %parallel_loop3A_189 : i32
          %parallel_loop3A_191 = arith.constant 0 : i32
          %parallel_loop3A_192 = arith.index_cast %parallel_loop3A_191 : i32 to index
          %parallel_loop3A_193 = arith.index_cast %parallel_loop3A_190 : i32 to index
          %parallel_loop3A_194 = tpu.vector_load %arg9[%parallel_loop3A_192, %parallel_loop3A_193] {strides = array<i32>} : memref<16x2048xf32, #tpu.memory_space<vmem>>, vector<16xf32>,
          tpu.vector_store %arg9[%parallel_loop3A_192, %parallel_loop3A_193], %parallel_loop3A_188 {strides = array<i32>} : memref<16x2048xf32, #tpu.memory_space<vmem>>, vector<16xf32>,
          %parallel_loop3A_195 = arith.constant 1 : i32
          %parallel_loop3A_196 = vector.broadcast %parallel_loop3A_195 : i32 to vector<16xi32>
          %parallel_loop3A_197 = tpu.vector_load_idx %arg6[%parallel_loop3A_196, %parallel_loop3A_185] : memref<16x512xf32, #tpu.memory_space<vmem>>[vector<16xi32>, vector<16xi32>], vector<16xf32>,
          %parallel_loop3A_198 = arith.constant 16 : i32
          %parallel_loop3A_199 = arith.muli %parallel_loop3A_181, %parallel_loop3A_198 : i32
          %parallel_loop3A_200 = arith.constant 1 : i32
          %parallel_loop3A_201 = arith.index_cast %parallel_loop3A_200 : i32 to index
          %parallel_loop3A_202 = arith.index_cast %parallel_loop3A_199 : i32 to index
          %parallel_loop3A_203 = tpu.vector_load %arg9[%parallel_loop3A_201, %parallel_loop3A_202] {strides = array<i32>} : memref<16x2048xf32, #tpu.memory_space<vmem>>, vector<16xf32>,
          tpu.vector_store %arg9[%parallel_loop3A_201, %parallel_loop3A_202], %parallel_loop3A_197 {strides = array<i32>} : memref<16x2048xf32, #tpu.memory_space<vmem>>, vector<16xf32>,
          %parallel_loop3A_204 = arith.constant 2 : i32
          %parallel_loop3A_205 = vector.broadcast %parallel_loop3A_204 : i32 to vector<16xi32>
          %parallel_loop3A_206 = tpu.vector_load_idx %arg6[%parallel_loop3A_205, %parallel_loop3A_185] : memref<16x512xf32, #tpu.memory_space<vmem>>[vector<16xi32>, vector<16xi32>], vector<16xf32>,
          %parallel_loop3A_207 = arith.constant 16 : i32
          %parallel_loop3A_208 = arith.muli %parallel_loop3A_181, %parallel_loop3A_207 : i32
          %parallel_loop3A_209 = arith.constant 2 : i32
          %parallel_loop3A_210 = arith.index_cast %parallel_loop3A_209 : i32 to index
          %parallel_loop3A_211 = arith.index_cast %parallel_loop3A_208 : i32 to index
          %parallel_loop3A_212 = tpu.vector_load %arg9[%parallel_loop3A_210, %parallel_loop3A_211] {strides = array<i32>} : memref<16x2048xf32, #tpu.memory_space<vmem>>, vector<16xf32>,
          tpu.vector_store %arg9[%parallel_loop3A_210, %parallel_loop3A_211], %parallel_loop3A_206 {strides = array<i32>} : memref<16x2048xf32, #tpu.memory_space<vmem>>, vector<16xf32>,
          %parallel_loop3A_213 = arith.constant 3 : i32
          %parallel_loop3A_214 = vector.broadcast %parallel_loop3A_213 : i32 to vector<16xi32>
          %parallel_loop3A_215 = tpu.vector_load_idx %arg6[%parallel_loop3A_214, %parallel_loop3A_185] : memref<16x512xf32, #tpu.memory_space<vmem>>[vector<16xi32>, vector<16xi32>], vector<16xf32>,
          %parallel_loop3A_216 = arith.constant 16 : i32
          %parallel_loop3A_217 = arith.muli %parallel_loop3A_181, %parallel_loop3A_216 : i32
          %parallel_loop3A_218 = arith.constant 3 : i32
          %parallel_loop3A_219 = arith.index_cast %parallel_loop3A_218 : i32 to index
          %parallel_loop3A_220 = arith.index_cast %parallel_loop3A_217 : i32 to index
          %parallel_loop3A_221 = tpu.vector_load %arg9[%parallel_loop3A_219, %parallel_loop3A_220] {strides = array<i32>} : memref<16x2048xf32, #tpu.memory_space<vmem>>, vector<16xf32>,
          tpu.vector_store %arg9[%parallel_loop3A_219, %parallel_loop3A_220], %parallel_loop3A_215 {strides = array<i32>} : memref<16x2048xf32, #tpu.memory_space<vmem>>, vector<16xf32>,
          %parallel_loop3A_222 = arith.constant 4 : i32
          %parallel_loop3A_223 = vector.broadcast %parallel_loop3A_222 : i32 to vector<16xi32>
          %parallel_loop3A_224 = tpu.vector_load_idx %arg6[%parallel_loop3A_223, %parallel_loop3A_185] : memref<16x512xf32, #tpu.memory_space<vmem>>[vector<16xi32>, vector<16xi32>], vector<16xf32>,
          %parallel_loop3A_225 = arith.constant 16 : i32
          %parallel_loop3A_226 = arith.muli %parallel_loop3A_181, %parallel_loop3A_225 : i32
          %parallel_loop3A_227 = arith.constant 4 : i32
          %parallel_loop3A_228 = arith.index_cast %parallel_loop3A_227 : i32 to index
          %parallel_loop3A_229 = arith.index_cast %parallel_loop3A_226 : i32 to index
          %parallel_loop3A_230 = tpu.vector_load %arg9[%parallel_loop3A_228, %parallel_loop3A_229] {strides = array<i32>} : memref<16x2048xf32, #tpu.memory_space<vmem>>, vector<16xf32>,
          tpu.vector_store %arg9[%parallel_loop3A_228, %parallel_loop3A_229], %parallel_loop3A_224 {strides = array<i32>} : memref<16x2048xf32, #tpu.memory_space<vmem>>, vector<16xf32>,
          %parallel_loop3A_231 = arith.constant 5 : i32
          %parallel_loop3A_232 = vector.broadcast %parallel_loop3A_231 : i32 to vector<16xi32>
          %parallel_loop3A_233 = tpu.vector_load_idx %arg6[%parallel_loop3A_232, %parallel_loop3A_185] : memref<16x512xf32, #tpu.memory_space<vmem>>[vector<16xi32>, vector<16xi32>], vector<16xf32>,
          %parallel_loop3A_234 = arith.constant 16 : i32
          %parallel_loop3A_235 = arith.muli %parallel_loop3A_181, %parallel_loop3A_234 : i32
          %parallel_loop3A_236 = arith.constant 5 : i32
          %parallel_loop3A_237 = arith.index_cast %parallel_loop3A_236 : i32 to index
          %parallel_loop3A_238 = arith.index_cast %parallel_loop3A_235 : i32 to index
          %parallel_loop3A_239 = tpu.vector_load %arg9[%parallel_loop3A_237, %parallel_loop3A_238] {strides = array<i32>} : memref<16x2048xf32, #tpu.memory_space<vmem>>, vector<16xf32>,
          tpu.vector_store %arg9[%parallel_loop3A_237, %parallel_loop3A_238], %parallel_loop3A_233 {strides = array<i32>} : memref<16x2048xf32, #tpu.memory_space<vmem>>, vector<16xf32>,
          %parallel_loop3A_240 = arith.constant 6 : i32
          %parallel_loop3A_241 = vector.broadcast %parallel_loop3A_240 : i32 to vector<16xi32>
          %parallel_loop3A_242 = tpu.vector_load_idx %arg6[%parallel_loop3A_241, %parallel_loop3A_185] : memref<16x512xf32, #tpu.memory_space<vmem>>[vector<16xi32>, vector<16xi32>], vector<16xf32>,
          %parallel_loop3A_243 = arith.constant 16 : i32
          %parallel_loop3A_244 = arith.muli %parallel_loop3A_181, %parallel_loop3A_243 : i32
          %parallel_loop3A_245 = arith.constant 6 : i32
          %parallel_loop3A_246 = arith.index_cast %parallel_loop3A_245 : i32 to index
          %parallel_loop3A_247 = arith.index_cast %parallel_loop3A_244 : i32 to index
          %parallel_loop3A_248 = tpu.vector_load %arg9[%parallel_loop3A_246, %parallel_loop3A_247] {strides = array<i32>} : memref<16x2048xf32, #tpu.memory_space<vmem>>, vector<16xf32>,
          tpu.vector_store %arg9[%parallel_loop3A_246, %parallel_loop3A_247], %parallel_loop3A_242 {strides = array<i32>} : memref<16x2048xf32, #tpu.memory_space<vmem>>, vector<16xf32>,
          %parallel_loop3A_249 = arith.constant 7 : i32
          %parallel_loop3A_250 = vector.broadcast %parallel_loop3A_249 : i32 to vector<16xi32>
          %parallel_loop3A_251 = tpu.vector_load_idx %arg6[%parallel_loop3A_250, %parallel_loop3A_185] : memref<16x512xf32, #tpu.memory_space<vmem>>[vector<16xi32>, vector<16xi32>], vector<16xf32>,
          %parallel_loop3A_252 = arith.constant 16 : i32
          %parallel_loop3A_253 = arith.muli %parallel_loop3A_181, %parallel_loop3A_252 : i32
          %parallel_loop3A_254 = arith.constant 7 : i32
          %parallel_loop3A_255 = arith.index_cast %parallel_loop3A_254 : i32 to index
          %parallel_loop3A_256 = arith.index_cast %parallel_loop3A_253 : i32 to index
          %parallel_loop3A_257 = tpu.vector_load %arg9[%parallel_loop3A_255, %parallel_loop3A_256] {strides = array<i32>} : memref<16x2048xf32, #tpu.memory_space<vmem>>, vector<16xf32>,
          tpu.vector_store %arg9[%parallel_loop3A_255, %parallel_loop3A_256], %parallel_loop3A_251 {strides = array<i32>} : memref<16x2048xf32, #tpu.memory_space<vmem>>, vector<16xf32>,
          %parallel_loop3A_258 = arith.constant 8 : i32
          %parallel_loop3A_259 = vector.broadcast %parallel_loop3A_258 : i32 to vector<16xi32>
          %parallel_loop3A_260 = tpu.vector_load_idx %arg6[%parallel_loop3A_259, %parallel_loop3A_185] : memref<16x512xf32, #tpu.memory_space<vmem>>[vector<16xi32>, vector<16xi32>], vector<16xf32>,
          %parallel_loop3A_261 = arith.constant 16 : i32
          %parallel_loop3A_262 = arith.muli %parallel_loop3A_181, %parallel_loop3A_261 : i32
          %parallel_loop3A_263 = arith.constant 8 : i32
          %parallel_loop3A_264 = arith.index_cast %parallel_loop3A_263 : i32 to index
          %parallel_loop3A_265 = arith.index_cast %parallel_loop3A_262 : i32 to index
          %parallel_loop3A_266 = tpu.vector_load %arg9[%parallel_loop3A_264, %parallel_loop3A_265] {strides = array<i32>} : memref<16x2048xf32, #tpu.memory_space<vmem>>, vector<16xf32>,
          tpu.vector_store %arg9[%parallel_loop3A_264, %parallel_loop3A_265], %parallel_loop3A_260 {strides = array<i32>} : memref<16x2048xf32, #tpu.memory_space<vmem>>, vector<16xf32>,
          %parallel_loop3A_267 = arith.constant 9 : i32
          %parallel_loop3A_268 = vector.broadcast %parallel_loop3A_267 : i32 to vector<16xi32>
          %parallel_loop3A_269 = tpu.vector_load_idx %arg6[%parallel_loop3A_268, %parallel_loop3A_185] : memref<16x512xf32, #tpu.memory_space<vmem>>[vector<16xi32>, vector<16xi32>], vector<16xf32>,
          %parallel_loop3A_270 = arith.constant 16 : i32
          %parallel_loop3A_271 = arith.muli %parallel_loop3A_181, %parallel_loop3A_270 : i32
          %parallel_loop3A_272 = arith.constant 9 : i32
          %parallel_loop3A_273 = arith.index_cast %parallel_loop3A_272 : i32 to index
          %parallel_loop3A_274 = arith.index_cast %parallel_loop3A_271 : i32 to index
          %parallel_loop3A_275 = tpu.vector_load %arg9[%parallel_loop3A_273, %parallel_loop3A_274] {strides = array<i32>} : memref<16x2048xf32, #tpu.memory_space<vmem>>, vector<16xf32>,
          tpu.vector_store %arg9[%parallel_loop3A_273, %parallel_loop3A_274], %parallel_loop3A_269 {strides = array<i32>} : memref<16x2048xf32, #tpu.memory_space<vmem>>, vector<16xf32>,
          %parallel_loop3A_276 = arith.constant 10 : i32
          %parallel_loop3A_277 = vector.broadcast %parallel_loop3A_276 : i32 to vector<16xi32>
          %parallel_loop3A_278 = tpu.vector_load_idx %arg6[%parallel_loop3A_277, %parallel_loop3A_185] : memref<16x512xf32, #tpu.memory_space<vmem>>[vector<16xi32>, vector<16xi32>], vector<16xf32>,
          %parallel_loop3A_279 = arith.constant 16 : i32
          %parallel_loop3A_280 = arith.muli %parallel_loop3A_181, %parallel_loop3A_279 : i32
          %parallel_loop3A_281 = arith.constant 10 : i32
          %parallel_loop3A_282 = arith.index_cast %parallel_loop3A_281 : i32 to index
          %parallel_loop3A_283 = arith.index_cast %parallel_loop3A_280 : i32 to index
          %parallel_loop3A_284 = tpu.vector_load %arg9[%parallel_loop3A_282, %parallel_loop3A_283] {strides = array<i32>} : memref<16x2048xf32, #tpu.memory_space<vmem>>, vector<16xf32>,
          tpu.vector_store %arg9[%parallel_loop3A_282, %parallel_loop3A_283], %parallel_loop3A_278 {strides = array<i32>} : memref<16x2048xf32, #tpu.memory_space<vmem>>, vector<16xf32>,
          %parallel_loop3A_285 = arith.constant 11 : i32
          %parallel_loop3A_286 = vector.broadcast %parallel_loop3A_285 : i32 to vector<16xi32>
          %parallel_loop3A_287 = tpu.vector_load_idx %arg6[%parallel_loop3A_286, %parallel_loop3A_185] : memref<16x512xf32, #tpu.memory_space<vmem>>[vector<16xi32>, vector<16xi32>], vector<16xf32>,
          %parallel_loop3A_288 = arith.constant 16 : i32
          %parallel_loop3A_289 = arith.muli %parallel_loop3A_181, %parallel_loop3A_288 : i32
          %parallel_loop3A_290 = arith.constant 11 : i32
          %parallel_loop3A_291 = arith.index_cast %parallel_loop3A_290 : i32 to index
          %parallel_loop3A_292 = arith.index_cast %parallel_loop3A_289 : i32 to index
          %parallel_loop3A_293 = tpu.vector_load %arg9[%parallel_loop3A_291, %parallel_loop3A_292] {strides = array<i32>} : memref<16x2048xf32, #tpu.memory_space<vmem>>, vector<16xf32>,
          tpu.vector_store %arg9[%parallel_loop3A_291, %parallel_loop3A_292], %parallel_loop3A_287 {strides = array<i32>} : memref<16x2048xf32, #tpu.memory_space<vmem>>, vector<16xf32>,
          %parallel_loop3A_294 = arith.constant 12 : i32
          %parallel_loop3A_295 = vector.broadcast %parallel_loop3A_294 : i32 to vector<16xi32>
          %parallel_loop3A_296 = tpu.vector_load_idx %arg6[%parallel_loop3A_295, %parallel_loop3A_185] : memref<16x512xf32, #tpu.memory_space<vmem>>[vector<16xi32>, vector<16xi32>], vector<16xf32>,
          %parallel_loop3A_297 = arith.constant 16 : i32
          %parallel_loop3A_298 = arith.muli %parallel_loop3A_181, %parallel_loop3A_297 : i32
          %parallel_loop3A_299 = arith.constant 12 : i32
          %parallel_loop3A_300 = arith.index_cast %parallel_loop3A_299 : i32 to index
          %parallel_loop3A_301 = arith.index_cast %parallel_loop3A_298 : i32 to index
          %parallel_loop3A_302 = tpu.vector_load %arg9[%parallel_loop3A_300, %parallel_loop3A_301] {strides = array<i32>} : memref<16x2048xf32, #tpu.memory_space<vmem>>, vector<16xf32>,
          tpu.vector_store %arg9[%parallel_loop3A_300, %parallel_loop3A_301], %parallel_loop3A_296 {strides = array<i32>} : memref<16x2048xf32, #tpu.memory_space<vmem>>, vector<16xf32>,
          %parallel_loop3A_303 = arith.constant 13 : i32
          %parallel_loop3A_304 = vector.broadcast %parallel_loop3A_303 : i32 to vector<16xi32>
          %parallel_loop3A_305 = tpu.vector_load_idx %arg6[%parallel_loop3A_304, %parallel_loop3A_185] : memref<16x512xf32, #tpu.memory_space<vmem>>[vector<16xi32>, vector<16xi32>], vector<16xf32>,
          %parallel_loop3A_306 = arith.constant 16 : i32
          %parallel_loop3A_307 = arith.muli %parallel_loop3A_181, %parallel_loop3A_306 : i32
          %parallel_loop3A_308 = arith.constant 13 : i32
          %parallel_loop3A_309 = arith.index_cast %parallel_loop3A_308 : i32 to index
          %parallel_loop3A_310 = arith.index_cast %parallel_loop3A_307 : i32 to index
          %parallel_loop3A_311 = tpu.vector_load %arg9[%parallel_loop3A_309, %parallel_loop3A_310] {strides = array<i32>} : memref<16x2048xf32, #tpu.memory_space<vmem>>, vector<16xf32>,
          tpu.vector_store %arg9[%parallel_loop3A_309, %parallel_loop3A_310], %parallel_loop3A_305 {strides = array<i32>} : memref<16x2048xf32, #tpu.memory_space<vmem>>, vector<16xf32>,
          %parallel_loop3A_312 = arith.constant 14 : i32
          %parallel_loop3A_313 = vector.broadcast %parallel_loop3A_312 : i32 to vector<16xi32>
          %parallel_loop3A_314 = tpu.vector_load_idx %arg6[%parallel_loop3A_313, %parallel_loop3A_185] : memref<16x512xf32, #tpu.memory_space<vmem>>[vector<16xi32>, vector<16xi32>], vector<16xf32>,
          %parallel_loop3A_315 = arith.constant 16 : i32
          %parallel_loop3A_316 = arith.muli %parallel_loop3A_181, %parallel_loop3A_315 : i32
          %parallel_loop3A_317 = arith.constant 14 : i32
          %parallel_loop3A_318 = arith.index_cast %parallel_loop3A_317 : i32 to index
          %parallel_loop3A_319 = arith.index_cast %parallel_loop3A_316 : i32 to index
          %parallel_loop3A_320 = tpu.vector_load %arg9[%parallel_loop3A_318, %parallel_loop3A_319] {strides = array<i32>} : memref<16x2048xf32, #tpu.memory_space<vmem>>, vector<16xf32>,
          tpu.vector_store %arg9[%parallel_loop3A_318, %parallel_loop3A_319], %parallel_loop3A_314 {strides = array<i32>} : memref<16x2048xf32, #tpu.memory_space<vmem>>, vector<16xf32>,
          %parallel_loop3A_321 = arith.constant 15 : i32
          %parallel_loop3A_322 = vector.broadcast %parallel_loop3A_321 : i32 to vector<16xi32>
          %parallel_loop3A_323 = tpu.vector_load_idx %arg6[%parallel_loop3A_322, %parallel_loop3A_185] : memref<16x512xf32, #tpu.memory_space<vmem>>[vector<16xi32>, vector<16xi32>], vector<16xf32>,
          %parallel_loop3A_324 = arith.constant 16 : i32
          %parallel_loop3A_325 = arith.muli %parallel_loop3A_181, %parallel_loop3A_324 : i32
          %parallel_loop3A_326 = arith.constant 15 : i32
          %parallel_loop3A_327 = arith.index_cast %parallel_loop3A_326 : i32 to index
          %parallel_loop3A_328 = arith.index_cast %parallel_loop3A_325 : i32 to index
          %parallel_loop3A_329 = tpu.vector_load %arg9[%parallel_loop3A_327, %parallel_loop3A_328] {strides = array<i32>} : memref<16x2048xf32, #tpu.memory_space<vmem>>, vector<16xf32>,
          tpu.vector_store %arg9[%parallel_loop3A_327, %parallel_loop3A_328], %parallel_loop3A_323 {strides = array<i32>} : memref<16x2048xf32, #tpu.memory_space<vmem>>, vector<16xf32>,
        } {sc.loop_unroll_factor = 1 : i64, sc.parallel_access}
        %mul3A_173 = arith.constant 32 : i32
        %mul3A_174 = arith.muli %add3A_42, %mul3A_173 : i32
        %add3A_175 = arith.addi %add3A, %mul3A_174 : i32
        %mul3A_176 = arith.constant 16 : i32
        %mul3A_177 = arith.muli %add3A_175, %mul3A_176 : i32
        %dma_start3A = arith.constant 0 : i32
        %dma_start3A_178 = tpu.memref_slice %arg4[%mul3A_177, %dma_start3A] : memref<50000x2048xf32, #tpu.memory_space<hbm>> -> memref<16x2048xf32, #tpu.memory_space<hbm>>
        %dma_start3A_179 = arith.constant 0 : i32
        %dma_start3A_180 = tpu.memref_slice %arg4[%mul3A_177, %dma_start3A_179] : memref<50000x2048xf32, #tpu.memory_space<hbm>> -> memref<16x2048xf32, #tpu.memory_space<hbm>>
        tpu.enqueue_dma source(%arg9 : memref<16x2048xf32, #tpu.memory_space<vmem>>) target(%dma_start3A_180 : memref<16x2048xf32, #tpu.memory_space<hbm>>) target_semaphore(%arg15 : memref<!tpu.dma_semaphore, #tpu.memory_space<semaphore_mem>>)
      } else {
      }
      %add3A_69 = arith.constant 3 : i32
      %add3A_70 = arith.addi %add3A_42, %add3A_69 : i32
      %sub3A_71 = arith.constant 1 : i32
      %sub3A_72 = arith.subi %add3A_70, %sub3A_71 : i32
      %mul3A_73 = arith.constant 32 : i32
      %mul3A_74 = arith.muli %sub3A_72, %mul3A_73 : i32
      %add3A_75 = arith.addi %add3A, %mul3A_74 : i32
      %lt3A_76 = arith.constant 3125 : i32
      %lt3A_77 = arith.cmpi slt, %add3A_75, %lt3A_76 : i32
      %convert_element_type3A_78 = arith.extui %lt3A_77 : i1 to i32
      %cond3A_79 = arith.constant 0 : i32
      %cond3A_80 = arith.cmpi ne, %convert_element_type3A_78, %cond3A_79 : i32
      scf.if %cond3A_80 {
        %mul3A_171 = arith.constant 32 : i32
        %mul3A_172 = arith.muli %sub3A_72, %mul3A_171 : i32
        %add3A_173 = arith.addi %add3A, %mul3A_172 : i32
        %mul3A_174 = arith.constant 16 : i32
        %mul3A_175 = arith.muli %add3A_173, %mul3A_174 : i32
        %dma_start3A = arith.constant 0 : i32
        %dma_start3A_176 = tpu.memref_slice %arg2[%mul3A_175, %dma_start3A] : memref<50000x512xf32, #tpu.memory_space<hbm>> -> memref<16x512xf32, #tpu.memory_space<hbm>>
        %dma_start3A_177 = arith.constant 0 : i32
        %dma_start3A_178 = tpu.memref_slice %arg2[%mul3A_175, %dma_start3A_177] : memref<50000x512xf32, #tpu.memory_space<hbm>> -> memref<16x512xf32, #tpu.memory_space<hbm>>
        tpu.enqueue_dma source(%dma_start3A_178 : memref<16x512xf32, #tpu.memory_space<hbm>>) target(%arg8 : memref<16x512xf32, #tpu.memory_space<vmem>>) target_semaphore(%arg14 : memref<!tpu.dma_semaphore, #tpu.memory_space<semaphore_mem>>)
      } else {
      }
      %mul3A_81 = arith.constant 3 : i32
      %mul3A_82 = arith.muli %scan3A_38, %mul3A_81 : i32
      %add3A_83 = arith.constant 1 : i32
      %add3A_84 = arith.addi %mul3A_82, %add3A_83 : i32
      %mul3A_85 = arith.constant 32 : i32
      %mul3A_86 = arith.muli %add3A_84, %mul3A_85 : i32
      %add3A_87 = arith.addi %add3A, %mul3A_86 : i32
      %lt3A_88 = arith.constant 3125 : i32
      %lt3A_89 = arith.cmpi slt, %add3A_87, %lt3A_88 : i32
      %convert_element_type3A_90 = arith.extui %lt3A_89 : i1 to i32
      %cond3A_91 = arith.constant 0 : i32
      %cond3A_92 = arith.cmpi ne, %convert_element_type3A_90, %cond3A_91 : i32
      scf.if %cond3A_92 {
        %dma_wait3A = arith.constant 0 : i32
        %dma_wait3A_171 = arith.constant 0 : i32
        %dma_wait3A_172 = tpu.memref_slice %arg2[%dma_wait3A, %dma_wait3A_171] : memref<50000x512xf32, #tpu.memory_space<hbm>> -> memref<16x512xf32, #tpu.memory_space<hbm>>
        %dma_wait3A_173 = arith.constant 0 : i32
        %dma_wait3A_174 = arith.constant 0 : i32
        %dma_wait3A_175 = tpu.memref_slice %arg2[%dma_wait3A_173, %dma_wait3A_174] : memref<50000x512xf32, #tpu.memory_space<hbm>> -> memref<16x512xf32, #tpu.memory_space<hbm>>
        tpu.wait_dma2 semaphore(%arg13 : memref<!tpu.dma_semaphore, #tpu.memory_space<semaphore_mem>>) src(%dma_wait3A_175 : memref<16x512xf32, #tpu.memory_space<hbm>>) dst(%arg7 : memref<16x512xf32, #tpu.memory_space<vmem>>)
      } else {
      }
      %ge3A_93 = arith.constant 3 : i32
      %ge3A_94 = arith.cmpi sge, %add3A_84, %ge3A_93 : i32
      %sub3A_95 = arith.constant 3 : i32
      %sub3A_96 = arith.subi %add3A_84, %sub3A_95 : i32
      %mul3A_97 = arith.constant 32 : i32
      %mul3A_98 = arith.muli %sub3A_96, %mul3A_97 : i32
      %add3A_99 = arith.addi %add3A, %mul3A_98 : i32
      %lt3A_100 = arith.constant 3125 : i32
      %lt3A_101 = arith.cmpi slt, %add3A_99, %lt3A_100 : i32
      %and3A_102 = arith.andi %ge3A_94, %lt3A_101 : i1
      %convert_element_type3A_103 = arith.extui %and3A_102 : i1 to i32
      %cond3A_104 = arith.constant 0 : i32
      %cond3A_105 = arith.cmpi ne, %convert_element_type3A_103, %cond3A_104 : i32
      scf.if %cond3A_105 {
        %dma_wait3A = arith.constant 0 : i32
        %dma_wait3A_171 = arith.constant 0 : i32
        %dma_wait3A_172 = tpu.memref_slice %arg4[%dma_wait3A, %dma_wait3A_171] : memref<50000x2048xf32, #tpu.memory_space<hbm>> -> memref<16x2048xf32, #tpu.memory_space<hbm>>
        %dma_wait3A_173 = arith.constant 0 : i32
        %dma_wait3A_174 = arith.constant 0 : i32
        %dma_wait3A_175 = tpu.memref_slice %arg4[%dma_wait3A_173, %dma_wait3A_174] : memref<50000x2048xf32, #tpu.memory_space<hbm>> -> memref<16x2048xf32, #tpu.memory_space<hbm>>
        tpu.wait_dma2 semaphore(%arg16 : memref<!tpu.dma_semaphore, #tpu.memory_space<semaphore_mem>>) src(%arg10 : memref<16x2048xf32, #tpu.memory_space<vmem>>) dst(%dma_wait3A_175 : memref<16x2048xf32, #tpu.memory_space<hbm>>)
      } else {
      }
      %mul3A_106 = arith.constant 32 : i32
      %mul3A_107 = arith.muli %add3A_84, %mul3A_106 : i32
      %add3A_108 = arith.addi %add3A, %mul3A_107 : i32
      %lt3A_109 = arith.constant 3125 : i32
      %lt3A_110 = arith.cmpi slt, %add3A_108, %lt3A_109 : i32
      %convert_element_type3A_111 = arith.extui %lt3A_110 : i1 to i32
      %cond3A_112 = arith.constant 0 : i32
      %cond3A_113 = arith.cmpi ne, %convert_element_type3A_111, %cond3A_112 : i32
      scf.if %cond3A_113 {
        %parallel_loop3A = arith.constant 0 : i32
        %parallel_loop3A_171 = arith.constant 128 : i32
        %parallel_loop3A_172 = arith.constant 1 : i32
        scf.for %parallel_loop3A_181 = %parallel_loop3A to %parallel_loop3A_171 step %parallel_loop3A_172  : i32 {
          %parallel_loop3A_182 = arith.constant 16 : i32
          %parallel_loop3A_183 = arith.muli %parallel_loop3A_181, %parallel_loop3A_182 : i32
          %parallel_loop3A_184 = arith.index_cast %parallel_loop3A_183 : i32 to index
          %parallel_loop3A_185 = tpu.vector_load %arg5[%parallel_loop3A_184] {strides = array<i32>} : memref<2048xi32, #tpu.memory_space<vmem>>, vector<16xi32>,
          %parallel_loop3A_186 = arith.constant 0 : i32
          %parallel_loop3A_187 = vector.broadcast %parallel_loop3A_186 : i32 to vector<16xi32>
          %parallel_loop3A_188 = tpu.vector_load_idx %arg7[%parallel_loop3A_187, %parallel_loop3A_185] : memref<16x512xf32, #tpu.memory_space<vmem>>[vector<16xi32>, vector<16xi32>], vector<16xf32>,
          %parallel_loop3A_189 = arith.constant 16 : i32
          %parallel_loop3A_190 = arith.muli %parallel_loop3A_181, %parallel_loop3A_189 : i32
          %parallel_loop3A_191 = arith.constant 0 : i32
          %parallel_loop3A_192 = arith.index_cast %parallel_loop3A_191 : i32 to index
          %parallel_loop3A_193 = arith.index_cast %parallel_loop3A_190 : i32 to index
          %parallel_loop3A_194 = tpu.vector_load %arg10[%parallel_loop3A_192, %parallel_loop3A_193] {strides = array<i32>} : memref<16x2048xf32, #tpu.memory_space<vmem>>, vector<16xf32>,
          tpu.vector_store %arg10[%parallel_loop3A_192, %parallel_loop3A_193], %parallel_loop3A_188 {strides = array<i32>} : memref<16x2048xf32, #tpu.memory_space<vmem>>, vector<16xf32>,
          %parallel_loop3A_195 = arith.constant 1 : i32
          %parallel_loop3A_196 = vector.broadcast %parallel_loop3A_195 : i32 to vector<16xi32>
          %parallel_loop3A_197 = tpu.vector_load_idx %arg7[%parallel_loop3A_196, %parallel_loop3A_185] : memref<16x512xf32, #tpu.memory_space<vmem>>[vector<16xi32>, vector<16xi32>], vector<16xf32>,
          %parallel_loop3A_198 = arith.constant 16 : i32
          %parallel_loop3A_199 = arith.muli %parallel_loop3A_181, %parallel_loop3A_198 : i32
          %parallel_loop3A_200 = arith.constant 1 : i32
          %parallel_loop3A_201 = arith.index_cast %parallel_loop3A_200 : i32 to index
          %parallel_loop3A_202 = arith.index_cast %parallel_loop3A_199 : i32 to index
          %parallel_loop3A_203 = tpu.vector_load %arg10[%parallel_loop3A_201, %parallel_loop3A_202] {strides = array<i32>} : memref<16x2048xf32, #tpu.memory_space<vmem>>, vector<16xf32>,
          tpu.vector_store %arg10[%parallel_loop3A_201, %parallel_loop3A_202], %parallel_loop3A_197 {strides = array<i32>} : memref<16x2048xf32, #tpu.memory_space<vmem>>, vector<16xf32>,
          %parallel_loop3A_204 = arith.constant 2 : i32
          %parallel_loop3A_205 = vector.broadcast %parallel_loop3A_204 : i32 to vector<16xi32>
          %parallel_loop3A_206 = tpu.vector_load_idx %arg7[%parallel_loop3A_205, %parallel_loop3A_185] : memref<16x512xf32, #tpu.memory_space<vmem>>[vector<16xi32>, vector<16xi32>], vector<16xf32>,
          %parallel_loop3A_207 = arith.constant 16 : i32
          %parallel_loop3A_208 = arith.muli %parallel_loop3A_181, %parallel_loop3A_207 : i32
          %parallel_loop3A_209 = arith.constant 2 : i32
          %parallel_loop3A_210 = arith.index_cast %parallel_loop3A_209 : i32 to index
          %parallel_loop3A_211 = arith.index_cast %parallel_loop3A_208 : i32 to index
          %parallel_loop3A_212 = tpu.vector_load %arg10[%parallel_loop3A_210, %parallel_loop3A_211] {strides = array<i32>} : memref<16x2048xf32, #tpu.memory_space<vmem>>, vector<16xf32>,
          tpu.vector_store %arg10[%parallel_loop3A_210, %parallel_loop3A_211], %parallel_loop3A_206 {strides = array<i32>} : memref<16x2048xf32, #tpu.memory_space<vmem>>, vector<16xf32>,
          %parallel_loop3A_213 = arith.constant 3 : i32
          %parallel_loop3A_214 = vector.broadcast %parallel_loop3A_213 : i32 to vector<16xi32>
          %parallel_loop3A_215 = tpu.vector_load_idx %arg7[%parallel_loop3A_214, %parallel_loop3A_185] : memref<16x512xf32, #tpu.memory_space<vmem>>[vector<16xi32>, vector<16xi32>], vector<16xf32>,
          %parallel_loop3A_216 = arith.constant 16 : i32
          %parallel_loop3A_217 = arith.muli %parallel_loop3A_181, %parallel_loop3A_216 : i32
          %parallel_loop3A_218 = arith.constant 3 : i32
          %parallel_loop3A_219 = arith.index_cast %parallel_loop3A_218 : i32 to index
          %parallel_loop3A_220 = arith.index_cast %parallel_loop3A_217 : i32 to index
          %parallel_loop3A_221 = tpu.vector_load %arg10[%parallel_loop3A_219, %parallel_loop3A_220] {strides = array<i32>} : memref<16x2048xf32, #tpu.memory_space<vmem>>, vector<16xf32>,
          tpu.vector_store %arg10[%parallel_loop3A_219, %parallel_loop3A_220], %parallel_loop3A_215 {strides = array<i32>} : memref<16x2048xf32, #tpu.memory_space<vmem>>, vector<16xf32>,
          %parallel_loop3A_222 = arith.constant 4 : i32
          %parallel_loop3A_223 = vector.broadcast %parallel_loop3A_222 : i32 to vector<16xi32>
          %parallel_loop3A_224 = tpu.vector_load_idx %arg7[%parallel_loop3A_223, %parallel_loop3A_185] : memref<16x512xf32, #tpu.memory_space<vmem>>[vector<16xi32>, vector<16xi32>], vector<16xf32>,
          %parallel_loop3A_225 = arith.constant 16 : i32
          %parallel_loop3A_226 = arith.muli %parallel_loop3A_181, %parallel_loop3A_225 : i32
          %parallel_loop3A_227 = arith.constant 4 : i32
          %parallel_loop3A_228 = arith.index_cast %parallel_loop3A_227 : i32 to index
          %parallel_loop3A_229 = arith.index_cast %parallel_loop3A_226 : i32 to index
          %parallel_loop3A_230 = tpu.vector_load %arg10[%parallel_loop3A_228, %parallel_loop3A_229] {strides = array<i32>} : memref<16x2048xf32, #tpu.memory_space<vmem>>, vector<16xf32>,
          tpu.vector_store %arg10[%parallel_loop3A_228, %parallel_loop3A_229], %parallel_loop3A_224 {strides = array<i32>} : memref<16x2048xf32, #tpu.memory_space<vmem>>, vector<16xf32>,
          %parallel_loop3A_231 = arith.constant 5 : i32
          %parallel_loop3A_232 = vector.broadcast %parallel_loop3A_231 : i32 to vector<16xi32>
          %parallel_loop3A_233 = tpu.vector_load_idx %arg7[%parallel_loop3A_232, %parallel_loop3A_185] : memref<16x512xf32, #tpu.memory_space<vmem>>[vector<16xi32>, vector<16xi32>], vector<16xf32>,
          %parallel_loop3A_234 = arith.constant 16 : i32
          %parallel_loop3A_235 = arith.muli %parallel_loop3A_181, %parallel_loop3A_234 : i32
          %parallel_loop3A_236 = arith.constant 5 : i32
          %parallel_loop3A_237 = arith.index_cast %parallel_loop3A_236 : i32 to index
          %parallel_loop3A_238 = arith.index_cast %parallel_loop3A_235 : i32 to index
          %parallel_loop3A_239 = tpu.vector_load %arg10[%parallel_loop3A_237, %parallel_loop3A_238] {strides = array<i32>} : memref<16x2048xf32, #tpu.memory_space<vmem>>, vector<16xf32>,
          tpu.vector_store %arg10[%parallel_loop3A_237, %parallel_loop3A_238], %parallel_loop3A_233 {strides = array<i32>} : memref<16x2048xf32, #tpu.memory_space<vmem>>, vector<16xf32>,
          %parallel_loop3A_240 = arith.constant 6 : i32
          %parallel_loop3A_241 = vector.broadcast %parallel_loop3A_240 : i32 to vector<16xi32>
          %parallel_loop3A_242 = tpu.vector_load_idx %arg7[%parallel_loop3A_241, %parallel_loop3A_185] : memref<16x512xf32, #tpu.memory_space<vmem>>[vector<16xi32>, vector<16xi32>], vector<16xf32>,
          %parallel_loop3A_243 = arith.constant 16 : i32
          %parallel_loop3A_244 = arith.muli %parallel_loop3A_181, %parallel_loop3A_243 : i32
          %parallel_loop3A_245 = arith.constant 6 : i32
          %parallel_loop3A_246 = arith.index_cast %parallel_loop3A_245 : i32 to index
          %parallel_loop3A_247 = arith.index_cast %parallel_loop3A_244 : i32 to index
          %parallel_loop3A_248 = tpu.vector_load %arg10[%parallel_loop3A_246, %parallel_loop3A_247] {strides = array<i32>} : memref<16x2048xf32, #tpu.memory_space<vmem>>, vector<16xf32>,
          tpu.vector_store %arg10[%parallel_loop3A_246, %parallel_loop3A_247], %parallel_loop3A_242 {strides = array<i32>} : memref<16x2048xf32, #tpu.memory_space<vmem>>, vector<16xf32>,
          %parallel_loop3A_249 = arith.constant 7 : i32
          %parallel_loop3A_250 = vector.broadcast %parallel_loop3A_249 : i32 to vector<16xi32>
          %parallel_loop3A_251 = tpu.vector_load_idx %arg7[%parallel_loop3A_250, %parallel_loop3A_185] : memref<16x512xf32, #tpu.memory_space<vmem>>[vector<16xi32>, vector<16xi32>], vector<16xf32>,
          %parallel_loop3A_252 = arith.constant 16 : i32
          %parallel_loop3A_253 = arith.muli %parallel_loop3A_181, %parallel_loop3A_252 : i32
          %parallel_loop3A_254 = arith.constant 7 : i32
          %parallel_loop3A_255 = arith.index_cast %parallel_loop3A_254 : i32 to index
          %parallel_loop3A_256 = arith.index_cast %parallel_loop3A_253 : i32 to index
          %parallel_loop3A_257 = tpu.vector_load %arg10[%parallel_loop3A_255, %parallel_loop3A_256] {strides = array<i32>} : memref<16x2048xf32, #tpu.memory_space<vmem>>, vector<16xf32>,
          tpu.vector_store %arg10[%parallel_loop3A_255, %parallel_loop3A_256], %parallel_loop3A_251 {strides = array<i32>} : memref<16x2048xf32, #tpu.memory_space<vmem>>, vector<16xf32>,
          %parallel_loop3A_258 = arith.constant 8 : i32
          %parallel_loop3A_259 = vector.broadcast %parallel_loop3A_258 : i32 to vector<16xi32>
          %parallel_loop3A_260 = tpu.vector_load_idx %arg7[%parallel_loop3A_259, %parallel_loop3A_185] : memref<16x512xf32, #tpu.memory_space<vmem>>[vector<16xi32>, vector<16xi32>], vector<16xf32>,
          %parallel_loop3A_261 = arith.constant 16 : i32
          %parallel_loop3A_262 = arith.muli %parallel_loop3A_181, %parallel_loop3A_261 : i32
          %parallel_loop3A_263 = arith.constant 8 : i32
          %parallel_loop3A_264 = arith.index_cast %parallel_loop3A_263 : i32 to index
          %parallel_loop3A_265 = arith.index_cast %parallel_loop3A_262 : i32 to index
          %parallel_loop3A_266 = tpu.vector_load %arg10[%parallel_loop3A_264, %parallel_loop3A_265] {strides = array<i32>} : memref<16x2048xf32, #tpu.memory_space<vmem>>, vector<16xf32>,
          tpu.vector_store %arg10[%parallel_loop3A_264, %parallel_loop3A_265], %parallel_loop3A_260 {strides = array<i32>} : memref<16x2048xf32, #tpu.memory_space<vmem>>, vector<16xf32>,
          %parallel_loop3A_267 = arith.constant 9 : i32
          %parallel_loop3A_268 = vector.broadcast %parallel_loop3A_267 : i32 to vector<16xi32>
          %parallel_loop3A_269 = tpu.vector_load_idx %arg7[%parallel_loop3A_268, %parallel_loop3A_185] : memref<16x512xf32, #tpu.memory_space<vmem>>[vector<16xi32>, vector<16xi32>], vector<16xf32>,
          %parallel_loop3A_270 = arith.constant 16 : i32
          %parallel_loop3A_271 = arith.muli %parallel_loop3A_181, %parallel_loop3A_270 : i32
          %parallel_loop3A_272 = arith.constant 9 : i32
          %parallel_loop3A_273 = arith.index_cast %parallel_loop3A_272 : i32 to index
          %parallel_loop3A_274 = arith.index_cast %parallel_loop3A_271 : i32 to index
          %parallel_loop3A_275 = tpu.vector_load %arg10[%parallel_loop3A_273, %parallel_loop3A_274] {strides = array<i32>} : memref<16x2048xf32, #tpu.memory_space<vmem>>, vector<16xf32>,
          tpu.vector_store %arg10[%parallel_loop3A_273, %parallel_loop3A_274], %parallel_loop3A_269 {strides = array<i32>} : memref<16x2048xf32, #tpu.memory_space<vmem>>, vector<16xf32>,
          %parallel_loop3A_276 = arith.constant 10 : i32
          %parallel_loop3A_277 = vector.broadcast %parallel_loop3A_276 : i32 to vector<16xi32>
          %parallel_loop3A_278 = tpu.vector_load_idx %arg7[%parallel_loop3A_277, %parallel_loop3A_185] : memref<16x512xf32, #tpu.memory_space<vmem>>[vector<16xi32>, vector<16xi32>], vector<16xf32>,
          %parallel_loop3A_279 = arith.constant 16 : i32
          %parallel_loop3A_280 = arith.muli %parallel_loop3A_181, %parallel_loop3A_279 : i32
          %parallel_loop3A_281 = arith.constant 10 : i32
          %parallel_loop3A_282 = arith.index_cast %parallel_loop3A_281 : i32 to index
          %parallel_loop3A_283 = arith.index_cast %parallel_loop3A_280 : i32 to index
          %parallel_loop3A_284 = tpu.vector_load %arg10[%parallel_loop3A_282, %parallel_loop3A_283] {strides = array<i32>} : memref<16x2048xf32, #tpu.memory_space<vmem>>, vector<16xf32>,
          tpu.vector_store %arg10[%parallel_loop3A_282, %parallel_loop3A_283], %parallel_loop3A_278 {strides = array<i32>} : memref<16x2048xf32, #tpu.memory_space<vmem>>, vector<16xf32>,
          %parallel_loop3A_285 = arith.constant 11 : i32
          %parallel_loop3A_286 = vector.broadcast %parallel_loop3A_285 : i32 to vector<16xi32>
          %parallel_loop3A_287 = tpu.vector_load_idx %arg7[%parallel_loop3A_286, %parallel_loop3A_185] : memref<16x512xf32, #tpu.memory_space<vmem>>[vector<16xi32>, vector<16xi32>], vector<16xf32>,
          %parallel_loop3A_288 = arith.constant 16 : i32
          %parallel_loop3A_289 = arith.muli %parallel_loop3A_181, %parallel_loop3A_288 : i32
          %parallel_loop3A_290 = arith.constant 11 : i32
          %parallel_loop3A_291 = arith.index_cast %parallel_loop3A_290 : i32 to index
          %parallel_loop3A_292 = arith.index_cast %parallel_loop3A_289 : i32 to index
          %parallel_loop3A_293 = tpu.vector_load %arg10[%parallel_loop3A_291, %parallel_loop3A_292] {strides = array<i32>} : memref<16x2048xf32, #tpu.memory_space<vmem>>, vector<16xf32>,
          tpu.vector_store %arg10[%parallel_loop3A_291, %parallel_loop3A_292], %parallel_loop3A_287 {strides = array<i32>} : memref<16x2048xf32, #tpu.memory_space<vmem>>, vector<16xf32>,
          %parallel_loop3A_294 = arith.constant 12 : i32
          %parallel_loop3A_295 = vector.broadcast %parallel_loop3A_294 : i32 to vector<16xi32>
          %parallel_loop3A_296 = tpu.vector_load_idx %arg7[%parallel_loop3A_295, %parallel_loop3A_185] : memref<16x512xf32, #tpu.memory_space<vmem>>[vector<16xi32>, vector<16xi32>], vector<16xf32>,
          %parallel_loop3A_297 = arith.constant 16 : i32
          %parallel_loop3A_298 = arith.muli %parallel_loop3A_181, %parallel_loop3A_297 : i32
          %parallel_loop3A_299 = arith.constant 12 : i32
          %parallel_loop3A_300 = arith.index_cast %parallel_loop3A_299 : i32 to index
          %parallel_loop3A_301 = arith.index_cast %parallel_loop3A_298 : i32 to index
          %parallel_loop3A_302 = tpu.vector_load %arg10[%parallel_loop3A_300, %parallel_loop3A_301] {strides = array<i32>} : memref<16x2048xf32, #tpu.memory_space<vmem>>, vector<16xf32>,
          tpu.vector_store %arg10[%parallel_loop3A_300, %parallel_loop3A_301], %parallel_loop3A_296 {strides = array<i32>} : memref<16x2048xf32, #tpu.memory_space<vmem>>, vector<16xf32>,
          %parallel_loop3A_303 = arith.constant 13 : i32
          %parallel_loop3A_304 = vector.broadcast %parallel_loop3A_303 : i32 to vector<16xi32>
          %parallel_loop3A_305 = tpu.vector_load_idx %arg7[%parallel_loop3A_304, %parallel_loop3A_185] : memref<16x512xf32, #tpu.memory_space<vmem>>[vector<16xi32>, vector<16xi32>], vector<16xf32>,
          %parallel_loop3A_306 = arith.constant 16 : i32
          %parallel_loop3A_307 = arith.muli %parallel_loop3A_181, %parallel_loop3A_306 : i32
          %parallel_loop3A_308 = arith.constant 13 : i32
          %parallel_loop3A_309 = arith.index_cast %parallel_loop3A_308 : i32 to index
          %parallel_loop3A_310 = arith.index_cast %parallel_loop3A_307 : i32 to index
          %parallel_loop3A_311 = tpu.vector_load %arg10[%parallel_loop3A_309, %parallel_loop3A_310] {strides = array<i32>} : memref<16x2048xf32, #tpu.memory_space<vmem>>, vector<16xf32>,
          tpu.vector_store %arg10[%parallel_loop3A_309, %parallel_loop3A_310], %parallel_loop3A_305 {strides = array<i32>} : memref<16x2048xf32, #tpu.memory_space<vmem>>, vector<16xf32>,
          %parallel_loop3A_312 = arith.constant 14 : i32
          %parallel_loop3A_313 = vector.broadcast %parallel_loop3A_312 : i32 to vector<16xi32>
          %parallel_loop3A_314 = tpu.vector_load_idx %arg7[%parallel_loop3A_313, %parallel_loop3A_185] : memref<16x512xf32, #tpu.memory_space<vmem>>[vector<16xi32>, vector<16xi32>], vector<16xf32>,
          %parallel_loop3A_315 = arith.constant 16 : i32
          %parallel_loop3A_316 = arith.muli %parallel_loop3A_181, %parallel_loop3A_315 : i32
          %parallel_loop3A_317 = arith.constant 14 : i32
          %parallel_loop3A_318 = arith.index_cast %parallel_loop3A_317 : i32 to index
          %parallel_loop3A_319 = arith.index_cast %parallel_loop3A_316 : i32 to index
          %parallel_loop3A_320 = tpu.vector_load %arg10[%parallel_loop3A_318, %parallel_loop3A_319] {strides = array<i32>} : memref<16x2048xf32, #tpu.memory_space<vmem>>, vector<16xf32>,
          tpu.vector_store %arg10[%parallel_loop3A_318, %parallel_loop3A_319], %parallel_loop3A_314 {strides = array<i32>} : memref<16x2048xf32, #tpu.memory_space<vmem>>, vector<16xf32>,
          %parallel_loop3A_321 = arith.constant 15 : i32
          %parallel_loop3A_322 = vector.broadcast %parallel_loop3A_321 : i32 to vector<16xi32>
          %parallel_loop3A_323 = tpu.vector_load_idx %arg7[%parallel_loop3A_322, %parallel_loop3A_185] : memref<16x512xf32, #tpu.memory_space<vmem>>[vector<16xi32>, vector<16xi32>], vector<16xf32>,
          %parallel_loop3A_324 = arith.constant 16 : i32
          %parallel_loop3A_325 = arith.muli %parallel_loop3A_181, %parallel_loop3A_324 : i32
          %parallel_loop3A_326 = arith.constant 15 : i32
          %parallel_loop3A_327 = arith.index_cast %parallel_loop3A_326 : i32 to index
          %parallel_loop3A_328 = arith.index_cast %parallel_loop3A_325 : i32 to index
          %parallel_loop3A_329 = tpu.vector_load %arg10[%parallel_loop3A_327, %parallel_loop3A_328] {strides = array<i32>} : memref<16x2048xf32, #tpu.memory_space<vmem>>, vector<16xf32>,
          tpu.vector_store %arg10[%parallel_loop3A_327, %parallel_loop3A_328], %parallel_loop3A_323 {strides = array<i32>} : memref<16x2048xf32, #tpu.memory_space<vmem>>, vector<16xf32>,
        } {sc.loop_unroll_factor = 1 : i64, sc.parallel_access}
        %mul3A_173 = arith.constant 32 : i32
        %mul3A_174 = arith.muli %add3A_84, %mul3A_173 : i32
        %add3A_175 = arith.addi %add3A, %mul3A_174 : i32
        %mul3A_176 = arith.constant 16 : i32
        %mul3A_177 = arith.muli %add3A_175, %mul3A_176 : i32
        %dma_start3A = arith.constant 0 : i32
        %dma_start3A_178 = tpu.memref_slice %arg4[%mul3A_177, %dma_start3A] : memref<50000x2048xf32, #tpu.memory_space<hbm>> -> memref<16x2048xf32, #tpu.memory_space<hbm>>
        %dma_start3A_179 = arith.constant 0 : i32
        %dma_start3A_180 = tpu.memref_slice %arg4[%mul3A_177, %dma_start3A_179] : memref<50000x2048xf32, #tpu.memory_space<hbm>> -> memref<16x2048xf32, #tpu.memory_space<hbm>>
        tpu.enqueue_dma source(%arg10 : memref<16x2048xf32, #tpu.memory_space<vmem>>) target(%dma_start3A_180 : memref<16x2048xf32, #tpu.memory_space<hbm>>) target_semaphore(%arg16 : memref<!tpu.dma_semaphore, #tpu.memory_space<semaphore_mem>>)
      } else {
      }
      %add3A_114 = arith.constant 3 : i32
      %add3A_115 = arith.addi %add3A_84, %add3A_114 : i32
      %sub3A_116 = arith.constant 1 : i32
      %sub3A_117 = arith.subi %add3A_115, %sub3A_116 : i32
      %mul3A_118 = arith.constant 32 : i32
      %mul3A_119 = arith.muli %sub3A_117, %mul3A_118 : i32
      %add3A_120 = arith.addi %add3A, %mul3A_119 : i32
      %lt3A_121 = arith.constant 3125 : i32
      %lt3A_122 = arith.cmpi slt, %add3A_120, %lt3A_121 : i32
      %convert_element_type3A_123 = arith.extui %lt3A_122 : i1 to i32
      %cond3A_124 = arith.constant 0 : i32
      %cond3A_125 = arith.cmpi ne, %convert_element_type3A_123, %cond3A_124 : i32
      scf.if %cond3A_125 {
        %mul3A_171 = arith.constant 32 : i32
        %mul3A_172 = arith.muli %sub3A_117, %mul3A_171 : i32
        %add3A_173 = arith.addi %add3A, %mul3A_172 : i32
        %mul3A_174 = arith.constant 16 : i32
        %mul3A_175 = arith.muli %add3A_173, %mul3A_174 : i32
        %dma_start3A = arith.constant 0 : i32
        %dma_start3A_176 = tpu.memref_slice %arg2[%mul3A_175, %dma_start3A] : memref<50000x512xf32, #tpu.memory_space<hbm>> -> memref<16x512xf32, #tpu.memory_space<hbm>>
        %dma_start3A_177 = arith.constant 0 : i32
        %dma_start3A_178 = tpu.memref_slice %arg2[%mul3A_175, %dma_start3A_177] : memref<50000x512xf32, #tpu.memory_space<hbm>> -> memref<16x512xf32, #tpu.memory_space<hbm>>
        tpu.enqueue_dma source(%dma_start3A_178 : memref<16x512xf32, #tpu.memory_space<hbm>>) target(%arg6 : memref<16x512xf32, #tpu.memory_space<vmem>>) target_semaphore(%arg12 : memref<!tpu.dma_semaphore, #tpu.memory_space<semaphore_mem>>)
      } else {
      }
      %mul3A_126 = arith.constant 3 : i32
      %mul3A_127 = arith.muli %scan3A_38, %mul3A_126 : i32
      %add3A_128 = arith.constant 2 : i32
      %add3A_129 = arith.addi %mul3A_127, %add3A_128 : i32
      %mul3A_130 = arith.constant 32 : i32
      %mul3A_131 = arith.muli %add3A_129, %mul3A_130 : i32
      %add3A_132 = arith.addi %add3A, %mul3A_131 : i32
      %lt3A_133 = arith.constant 3125 : i32
      %lt3A_134 = arith.cmpi slt, %add3A_132, %lt3A_133 : i32
      %convert_element_type3A_135 = arith.extui %lt3A_134 : i1 to i32
      %cond3A_136 = arith.constant 0 : i32
      %cond3A_137 = arith.cmpi ne, %convert_element_type3A_135, %cond3A_136 : i32
      scf.if %cond3A_137 {
        %dma_wait3A = arith.constant 0 : i32
        %dma_wait3A_171 = arith.constant 0 : i32
        %dma_wait3A_172 = tpu.memref_slice %arg2[%dma_wait3A, %dma_wait3A_171] : memref<50000x512xf32, #tpu.memory_space<hbm>> -> memref<16x512xf32, #tpu.memory_space<hbm>>
        %dma_wait3A_173 = arith.constant 0 : i32
        %dma_wait3A_174 = arith.constant 0 : i32
        %dma_wait3A_175 = tpu.memref_slice %arg2[%dma_wait3A_173, %dma_wait3A_174] : memref<50000x512xf32, #tpu.memory_space<hbm>> -> memref<16x512xf32, #tpu.memory_space<hbm>>
        tpu.wait_dma2 semaphore(%arg14 : memref<!tpu.dma_semaphore, #tpu.memory_space<semaphore_mem>>) src(%dma_wait3A_175 : memref<16x512xf32, #tpu.memory_space<hbm>>) dst(%arg8 : memref<16x512xf32, #tpu.memory_space<vmem>>)
      } else {
      }
      %ge3A_138 = arith.constant 3 : i32
      %ge3A_139 = arith.cmpi sge, %add3A_129, %ge3A_138 : i32
      %sub3A_140 = arith.constant 3 : i32
      %sub3A_141 = arith.subi %add3A_129, %sub3A_140 : i32
      %mul3A_142 = arith.constant 32 : i32
      %mul3A_143 = arith.muli %sub3A_141, %mul3A_142 : i32
      %add3A_144 = arith.addi %add3A, %mul3A_143 : i32
      %lt3A_145 = arith.constant 3125 : i32
      %lt3A_146 = arith.cmpi slt, %add3A_144, %lt3A_145 : i32
      %and3A_147 = arith.andi %ge3A_139, %lt3A_146 : i1
      %convert_element_type3A_148 = arith.extui %and3A_147 : i1 to i32
      %cond3A_149 = arith.constant 0 : i32
      %cond3A_150 = arith.cmpi ne, %convert_element_type3A_148, %cond3A_149 : i32
      scf.if %cond3A_150 {
        %dma_wait3A = arith.constant 0 : i32
        %dma_wait3A_171 = arith.constant 0 : i32
        %dma_wait3A_172 = tpu.memref_slice %arg4[%dma_wait3A, %dma_wait3A_171] : memref<50000x2048xf32, #tpu.memory_space<hbm>> -> memref<16x2048xf32, #tpu.memory_space<hbm>>
        %dma_wait3A_173 = arith.constant 0 : i32
        %dma_wait3A_174 = arith.constant 0 : i32
        %dma_wait3A_175 = tpu.memref_slice %arg4[%dma_wait3A_173, %dma_wait3A_174] : memref<50000x2048xf32, #tpu.memory_space<hbm>> -> memref<16x2048xf32, #tpu.memory_space<hbm>>
        tpu.wait_dma2 semaphore(%arg17 : memref<!tpu.dma_semaphore, #tpu.memory_space<semaphore_mem>>) src(%arg11 : memref<16x2048xf32, #tpu.memory_space<vmem>>) dst(%dma_wait3A_175 : memref<16x2048xf32, #tpu.memory_space<hbm>>)
      } else {
      }
      %mul3A_151 = arith.constant 32 : i32
      %mul3A_152 = arith.muli %add3A_129, %mul3A_151 : i32
      %add3A_153 = arith.addi %add3A, %mul3A_152 : i32
      %lt3A_154 = arith.constant 3125 : i32
      %lt3A_155 = arith.cmpi slt, %add3A_153, %lt3A_154 : i32
      %convert_element_type3A_156 = arith.extui %lt3A_155 : i1 to i32
      %cond3A_157 = arith.constant 0 : i32
      %cond3A_158 = arith.cmpi ne, %convert_element_type3A_156, %cond3A_157 : i32
      scf.if %cond3A_158 {
        %parallel_loop3A = arith.constant 0 : i32
        %parallel_loop3A_171 = arith.constant 128 : i32
        %parallel_loop3A_172 = arith.constant 1 : i32
        scf.for %parallel_loop3A_181 = %parallel_loop3A to %parallel_loop3A_171 step %parallel_loop3A_172  : i32 {
          %parallel_loop3A_182 = arith.constant 16 : i32
          %parallel_loop3A_183 = arith.muli %parallel_loop3A_181, %parallel_loop3A_182 : i32
          %parallel_loop3A_184 = arith.index_cast %parallel_loop3A_183 : i32 to index
          %parallel_loop3A_185 = tpu.vector_load %arg5[%parallel_loop3A_184] {strides = array<i32>} : memref<2048xi32, #tpu.memory_space<vmem>>, vector<16xi32>,
          %parallel_loop3A_186 = arith.constant 0 : i32
          %parallel_loop3A_187 = vector.broadcast %parallel_loop3A_186 : i32 to vector<16xi32>
          %parallel_loop3A_188 = tpu.vector_load_idx %arg8[%parallel_loop3A_187, %parallel_loop3A_185] : memref<16x512xf32, #tpu.memory_space<vmem>>[vector<16xi32>, vector<16xi32>], vector<16xf32>,
          %parallel_loop3A_189 = arith.constant 16 : i32
          %parallel_loop3A_190 = arith.muli %parallel_loop3A_181, %parallel_loop3A_189 : i32
          %parallel_loop3A_191 = arith.constant 0 : i32
          %parallel_loop3A_192 = arith.index_cast %parallel_loop3A_191 : i32 to index
          %parallel_loop3A_193 = arith.index_cast %parallel_loop3A_190 : i32 to index
          %parallel_loop3A_194 = tpu.vector_load %arg11[%parallel_loop3A_192, %parallel_loop3A_193] {strides = array<i32>} : memref<16x2048xf32, #tpu.memory_space<vmem>>, vector<16xf32>,
          tpu.vector_store %arg11[%parallel_loop3A_192, %parallel_loop3A_193], %parallel_loop3A_188 {strides = array<i32>} : memref<16x2048xf32, #tpu.memory_space<vmem>>, vector<16xf32>,
          %parallel_loop3A_195 = arith.constant 1 : i32
          %parallel_loop3A_196 = vector.broadcast %parallel_loop3A_195 : i32 to vector<16xi32>
          %parallel_loop3A_197 = tpu.vector_load_idx %arg8[%parallel_loop3A_196, %parallel_loop3A_185] : memref<16x512xf32, #tpu.memory_space<vmem>>[vector<16xi32>, vector<16xi32>], vector<16xf32>,
          %parallel_loop3A_198 = arith.constant 16 : i32
          %parallel_loop3A_199 = arith.muli %parallel_loop3A_181, %parallel_loop3A_198 : i32
          %parallel_loop3A_200 = arith.constant 1 : i32
          %parallel_loop3A_201 = arith.index_cast %parallel_loop3A_200 : i32 to index
          %parallel_loop3A_202 = arith.index_cast %parallel_loop3A_199 : i32 to index
          %parallel_loop3A_203 = tpu.vector_load %arg11[%parallel_loop3A_201, %parallel_loop3A_202] {strides = array<i32>} : memref<16x2048xf32, #tpu.memory_space<vmem>>, vector<16xf32>,
          tpu.vector_store %arg11[%parallel_loop3A_201, %parallel_loop3A_202], %parallel_loop3A_197 {strides = array<i32>} : memref<16x2048xf32, #tpu.memory_space<vmem>>, vector<16xf32>,
          %parallel_loop3A_204 = arith.constant 2 : i32
          %parallel_loop3A_205 = vector.broadcast %parallel_loop3A_204 : i32 to vector<16xi32>
          %parallel_loop3A_206 = tpu.vector_load_idx %arg8[%parallel_loop3A_205, %parallel_loop3A_185] : memref<16x512xf32, #tpu.memory_space<vmem>>[vector<16xi32>, vector<16xi32>], vector<16xf32>,
          %parallel_loop3A_207 = arith.constant 16 : i32
          %parallel_loop3A_208 = arith.muli %parallel_loop3A_181, %parallel_loop3A_207 : i32
          %parallel_loop3A_209 = arith.constant 2 : i32
          %parallel_loop3A_210 = arith.index_cast %parallel_loop3A_209 : i32 to index
          %parallel_loop3A_211 = arith.index_cast %parallel_loop3A_208 : i32 to index
          %parallel_loop3A_212 = tpu.vector_load %arg11[%parallel_loop3A_210, %parallel_loop3A_211] {strides = array<i32>} : memref<16x2048xf32, #tpu.memory_space<vmem>>, vector<16xf32>,
          tpu.vector_store %arg11[%parallel_loop3A_210, %parallel_loop3A_211], %parallel_loop3A_206 {strides = array<i32>} : memref<16x2048xf32, #tpu.memory_space<vmem>>, vector<16xf32>,
          %parallel_loop3A_213 = arith.constant 3 : i32
          %parallel_loop3A_214 = vector.broadcast %parallel_loop3A_213 : i32 to vector<16xi32>
          %parallel_loop3A_215 = tpu.vector_load_idx %arg8[%parallel_loop3A_214, %parallel_loop3A_185] : memref<16x512xf32, #tpu.memory_space<vmem>>[vector<16xi32>, vector<16xi32>], vector<16xf32>,
          %parallel_loop3A_216 = arith.constant 16 : i32
          %parallel_loop3A_217 = arith.muli %parallel_loop3A_181, %parallel_loop3A_216 : i32
          %parallel_loop3A_218 = arith.constant 3 : i32
          %parallel_loop3A_219 = arith.index_cast %parallel_loop3A_218 : i32 to index
          %parallel_loop3A_220 = arith.index_cast %parallel_loop3A_217 : i32 to index
          %parallel_loop3A_221 = tpu.vector_load %arg11[%parallel_loop3A_219, %parallel_loop3A_220] {strides = array<i32>} : memref<16x2048xf32, #tpu.memory_space<vmem>>, vector<16xf32>,
          tpu.vector_store %arg11[%parallel_loop3A_219, %parallel_loop3A_220], %parallel_loop3A_215 {strides = array<i32>} : memref<16x2048xf32, #tpu.memory_space<vmem>>, vector<16xf32>,
          %parallel_loop3A_222 = arith.constant 4 : i32
          %parallel_loop3A_223 = vector.broadcast %parallel_loop3A_222 : i32 to vector<16xi32>
          %parallel_loop3A_224 = tpu.vector_load_idx %arg8[%parallel_loop3A_223, %parallel_loop3A_185] : memref<16x512xf32, #tpu.memory_space<vmem>>[vector<16xi32>, vector<16xi32>], vector<16xf32>,
          %parallel_loop3A_225 = arith.constant 16 : i32
          %parallel_loop3A_226 = arith.muli %parallel_loop3A_181, %parallel_loop3A_225 : i32
          %parallel_loop3A_227 = arith.constant 4 : i32
          %parallel_loop3A_228 = arith.index_cast %parallel_loop3A_227 : i32 to index
          %parallel_loop3A_229 = arith.index_cast %parallel_loop3A_226 : i32 to index
          %parallel_loop3A_230 = tpu.vector_load %arg11[%parallel_loop3A_228, %parallel_loop3A_229] {strides = array<i32>} : memref<16x2048xf32, #tpu.memory_space<vmem>>, vector<16xf32>,
          tpu.vector_store %arg11[%parallel_loop3A_228, %parallel_loop3A_229], %parallel_loop3A_224 {strides = array<i32>} : memref<16x2048xf32, #tpu.memory_space<vmem>>, vector<16xf32>,
          %parallel_loop3A_231 = arith.constant 5 : i32
          %parallel_loop3A_232 = vector.broadcast %parallel_loop3A_231 : i32 to vector<16xi32>
          %parallel_loop3A_233 = tpu.vector_load_idx %arg8[%parallel_loop3A_232, %parallel_loop3A_185] : memref<16x512xf32, #tpu.memory_space<vmem>>[vector<16xi32>, vector<16xi32>], vector<16xf32>,
          %parallel_loop3A_234 = arith.constant 16 : i32
          %parallel_loop3A_235 = arith.muli %parallel_loop3A_181, %parallel_loop3A_234 : i32
          %parallel_loop3A_236 = arith.constant 5 : i32
          %parallel_loop3A_237 = arith.index_cast %parallel_loop3A_236 : i32 to index
          %parallel_loop3A_238 = arith.index_cast %parallel_loop3A_235 : i32 to index
          %parallel_loop3A_239 = tpu.vector_load %arg11[%parallel_loop3A_237, %parallel_loop3A_238] {strides = array<i32>} : memref<16x2048xf32, #tpu.memory_space<vmem>>, vector<16xf32>,
          tpu.vector_store %arg11[%parallel_loop3A_237, %parallel_loop3A_238], %parallel_loop3A_233 {strides = array<i32>} : memref<16x2048xf32, #tpu.memory_space<vmem>>, vector<16xf32>,
          %parallel_loop3A_240 = arith.constant 6 : i32
          %parallel_loop3A_241 = vector.broadcast %parallel_loop3A_240 : i32 to vector<16xi32>
          %parallel_loop3A_242 = tpu.vector_load_idx %arg8[%parallel_loop3A_241, %parallel_loop3A_185] : memref<16x512xf32, #tpu.memory_space<vmem>>[vector<16xi32>, vector<16xi32>], vector<16xf32>,
          %parallel_loop3A_243 = arith.constant 16 : i32
          %parallel_loop3A_244 = arith.muli %parallel_loop3A_181, %parallel_loop3A_243 : i32
          %parallel_loop3A_245 = arith.constant 6 : i32
          %parallel_loop3A_246 = arith.index_cast %parallel_loop3A_245 : i32 to index
          %parallel_loop3A_247 = arith.index_cast %parallel_loop3A_244 : i32 to index
          %parallel_loop3A_248 = tpu.vector_load %arg11[%parallel_loop3A_246, %parallel_loop3A_247] {strides = array<i32>} : memref<16x2048xf32, #tpu.memory_space<vmem>>, vector<16xf32>,
          tpu.vector_store %arg11[%parallel_loop3A_246, %parallel_loop3A_247], %parallel_loop3A_242 {strides = array<i32>} : memref<16x2048xf32, #tpu.memory_space<vmem>>, vector<16xf32>,
          %parallel_loop3A_249 = arith.constant 7 : i32
          %parallel_loop3A_250 = vector.broadcast %parallel_loop3A_249 : i32 to vector<16xi32>
          %parallel_loop3A_251 = tpu.vector_load_idx %arg8[%parallel_loop3A_250, %parallel_loop3A_185] : memref<16x512xf32, #tpu.memory_space<vmem>>[vector<16xi32>, vector<16xi32>], vector<16xf32>,
          %parallel_loop3A_252 = arith.constant 16 : i32
          %parallel_loop3A_253 = arith.muli %parallel_loop3A_181, %parallel_loop3A_252 : i32
          %parallel_loop3A_254 = arith.constant 7 : i32
          %parallel_loop3A_255 = arith.index_cast %parallel_loop3A_254 : i32 to index
          %parallel_loop3A_256 = arith.index_cast %parallel_loop3A_253 : i32 to index
          %parallel_loop3A_257 = tpu.vector_load %arg11[%parallel_loop3A_255, %parallel_loop3A_256] {strides = array<i32>} : memref<16x2048xf32, #tpu.memory_space<vmem>>, vector<16xf32>,
          tpu.vector_store %arg11[%parallel_loop3A_255, %parallel_loop3A_256], %parallel_loop3A_251 {strides = array<i32>} : memref<16x2048xf32, #tpu.memory_space<vmem>>, vector<16xf32>,
          %parallel_loop3A_258 = arith.constant 8 : i32
          %parallel_loop3A_259 = vector.broadcast %parallel_loop3A_258 : i32 to vector<16xi32>
          %parallel_loop3A_260 = tpu.vector_load_idx %arg8[%parallel_loop3A_259, %parallel_loop3A_185] : memref<16x512xf32, #tpu.memory_space<vmem>>[vector<16xi32>, vector<16xi32>], vector<16xf32>,
          %parallel_loop3A_261 = arith.constant 16 : i32
          %parallel_loop3A_262 = arith.muli %parallel_loop3A_181, %parallel_loop3A_261 : i32
          %parallel_loop3A_263 = arith.constant 8 : i32
          %parallel_loop3A_264 = arith.index_cast %parallel_loop3A_263 : i32 to index
          %parallel_loop3A_265 = arith.index_cast %parallel_loop3A_262 : i32 to index
          %parallel_loop3A_266 = tpu.vector_load %arg11[%parallel_loop3A_264, %parallel_loop3A_265] {strides = array<i32>} : memref<16x2048xf32, #tpu.memory_space<vmem>>, vector<16xf32>,
          tpu.vector_store %arg11[%parallel_loop3A_264, %parallel_loop3A_265], %parallel_loop3A_260 {strides = array<i32>} : memref<16x2048xf32, #tpu.memory_space<vmem>>, vector<16xf32>,
          %parallel_loop3A_267 = arith.constant 9 : i32
          %parallel_loop3A_268 = vector.broadcast %parallel_loop3A_267 : i32 to vector<16xi32>
          %parallel_loop3A_269 = tpu.vector_load_idx %arg8[%parallel_loop3A_268, %parallel_loop3A_185] : memref<16x512xf32, #tpu.memory_space<vmem>>[vector<16xi32>, vector<16xi32>], vector<16xf32>,
          %parallel_loop3A_270 = arith.constant 16 : i32
          %parallel_loop3A_271 = arith.muli %parallel_loop3A_181, %parallel_loop3A_270 : i32
          %parallel_loop3A_272 = arith.constant 9 : i32
          %parallel_loop3A_273 = arith.index_cast %parallel_loop3A_272 : i32 to index
          %parallel_loop3A_274 = arith.index_cast %parallel_loop3A_271 : i32 to index
          %parallel_loop3A_275 = tpu.vector_load %arg11[%parallel_loop3A_273, %parallel_loop3A_274] {strides = array<i32>} : memref<16x2048xf32, #tpu.memory_space<vmem>>, vector<16xf32>,
          tpu.vector_store %arg11[%parallel_loop3A_273, %parallel_loop3A_274], %parallel_loop3A_269 {strides = array<i32>} : memref<16x2048xf32, #tpu.memory_space<vmem>>, vector<16xf32>,
          %parallel_loop3A_276 = arith.constant 10 : i32
          %parallel_loop3A_277 = vector.broadcast %parallel_loop3A_276 : i32 to vector<16xi32>
          %parallel_loop3A_278 = tpu.vector_load_idx %arg8[%parallel_loop3A_277, %parallel_loop3A_185] : memref<16x512xf32, #tpu.memory_space<vmem>>[vector<16xi32>, vector<16xi32>], vector<16xf32>,
          %parallel_loop3A_279 = arith.constant 16 : i32
          %parallel_loop3A_280 = arith.muli %parallel_loop3A_181, %parallel_loop3A_279 : i32
          %parallel_loop3A_281 = arith.constant 10 : i32
          %parallel_loop3A_282 = arith.index_cast %parallel_loop3A_281 : i32 to index
          %parallel_loop3A_283 = arith.index_cast %parallel_loop3A_280 : i32 to index
          %parallel_loop3A_284 = tpu.vector_load %arg11[%parallel_loop3A_282, %parallel_loop3A_283] {strides = array<i32>} : memref<16x2048xf32, #tpu.memory_space<vmem>>, vector<16xf32>,
          tpu.vector_store %arg11[%parallel_loop3A_282, %parallel_loop3A_283], %parallel_loop3A_278 {strides = array<i32>} : memref<16x2048xf32, #tpu.memory_space<vmem>>, vector<16xf32>,
          %parallel_loop3A_285 = arith.constant 11 : i32
          %parallel_loop3A_286 = vector.broadcast %parallel_loop3A_285 : i32 to vector<16xi32>
          %parallel_loop3A_287 = tpu.vector_load_idx %arg8[%parallel_loop3A_286, %parallel_loop3A_185] : memref<16x512xf32, #tpu.memory_space<vmem>>[vector<16xi32>, vector<16xi32>], vector<16xf32>,
          %parallel_loop3A_288 = arith.constant 16 : i32
          %parallel_loop3A_289 = arith.muli %parallel_loop3A_181, %parallel_loop3A_288 : i32
          %parallel_loop3A_290 = arith.constant 11 : i32
          %parallel_loop3A_291 = arith.index_cast %parallel_loop3A_290 : i32 to index
          %parallel_loop3A_292 = arith.index_cast %parallel_loop3A_289 : i32 to index
          %parallel_loop3A_293 = tpu.vector_load %arg11[%parallel_loop3A_291, %parallel_loop3A_292] {strides = array<i32>} : memref<16x2048xf32, #tpu.memory_space<vmem>>, vector<16xf32>,
          tpu.vector_store %arg11[%parallel_loop3A_291, %parallel_loop3A_292], %parallel_loop3A_287 {strides = array<i32>} : memref<16x2048xf32, #tpu.memory_space<vmem>>, vector<16xf32>,
          %parallel_loop3A_294 = arith.constant 12 : i32
          %parallel_loop3A_295 = vector.broadcast %parallel_loop3A_294 : i32 to vector<16xi32>
          %parallel_loop3A_296 = tpu.vector_load_idx %arg8[%parallel_loop3A_295, %parallel_loop3A_185] : memref<16x512xf32, #tpu.memory_space<vmem>>[vector<16xi32>, vector<16xi32>], vector<16xf32>,
          %parallel_loop3A_297 = arith.constant 16 : i32
          %parallel_loop3A_298 = arith.muli %parallel_loop3A_181, %parallel_loop3A_297 : i32
          %parallel_loop3A_299 = arith.constant 12 : i32
          %parallel_loop3A_300 = arith.index_cast %parallel_loop3A_299 : i32 to index
          %parallel_loop3A_301 = arith.index_cast %parallel_loop3A_298 : i32 to index
          %parallel_loop3A_302 = tpu.vector_load %arg11[%parallel_loop3A_300, %parallel_loop3A_301] {strides = array<i32>} : memref<16x2048xf32, #tpu.memory_space<vmem>>, vector<16xf32>,
          tpu.vector_store %arg11[%parallel_loop3A_300, %parallel_loop3A_301], %parallel_loop3A_296 {strides = array<i32>} : memref<16x2048xf32, #tpu.memory_space<vmem>>, vector<16xf32>,
          %parallel_loop3A_303 = arith.constant 13 : i32
          %parallel_loop3A_304 = vector.broadcast %parallel_loop3A_303 : i32 to vector<16xi32>
          %parallel_loop3A_305 = tpu.vector_load_idx %arg8[%parallel_loop3A_304, %parallel_loop3A_185] : memref<16x512xf32, #tpu.memory_space<vmem>>[vector<16xi32>, vector<16xi32>], vector<16xf32>,
          %parallel_loop3A_306 = arith.constant 16 : i32
          %parallel_loop3A_307 = arith.muli %parallel_loop3A_181, %parallel_loop3A_306 : i32
          %parallel_loop3A_308 = arith.constant 13 : i32
          %parallel_loop3A_309 = arith.index_cast %parallel_loop3A_308 : i32 to index
          %parallel_loop3A_310 = arith.index_cast %parallel_loop3A_307 : i32 to index
          %parallel_loop3A_311 = tpu.vector_load %arg11[%parallel_loop3A_309, %parallel_loop3A_310] {strides = array<i32>} : memref<16x2048xf32, #tpu.memory_space<vmem>>, vector<16xf32>,
          tpu.vector_store %arg11[%parallel_loop3A_309, %parallel_loop3A_310], %parallel_loop3A_305 {strides = array<i32>} : memref<16x2048xf32, #tpu.memory_space<vmem>>, vector<16xf32>,
          %parallel_loop3A_312 = arith.constant 14 : i32
          %parallel_loop3A_313 = vector.broadcast %parallel_loop3A_312 : i32 to vector<16xi32>
          %parallel_loop3A_314 = tpu.vector_load_idx %arg8[%parallel_loop3A_313, %parallel_loop3A_185] : memref<16x512xf32, #tpu.memory_space<vmem>>[vector<16xi32>, vector<16xi32>], vector<16xf32>,
          %parallel_loop3A_315 = arith.constant 16 : i32
          %parallel_loop3A_316 = arith.muli %parallel_loop3A_181, %parallel_loop3A_315 : i32
          %parallel_loop3A_317 = arith.constant 14 : i32
          %parallel_loop3A_318 = arith.index_cast %parallel_loop3A_317 : i32 to index
          %parallel_loop3A_319 = arith.index_cast %parallel_loop3A_316 : i32 to index
          %parallel_loop3A_320 = tpu.vector_load %arg11[%parallel_loop3A_318, %parallel_loop3A_319] {strides = array<i32>} : memref<16x2048xf32, #tpu.memory_space<vmem>>, vector<16xf32>,
          tpu.vector_store %arg11[%parallel_loop3A_318, %parallel_loop3A_319], %parallel_loop3A_314 {strides = array<i32>} : memref<16x2048xf32, #tpu.memory_space<vmem>>, vector<16xf32>,
          %parallel_loop3A_321 = arith.constant 15 : i32
          %parallel_loop3A_322 = vector.broadcast %parallel_loop3A_321 : i32 to vector<16xi32>
          %parallel_loop3A_323 = tpu.vector_load_idx %arg8[%parallel_loop3A_322, %parallel_loop3A_185] : memref<16x512xf32, #tpu.memory_space<vmem>>[vector<16xi32>, vector<16xi32>], vector<16xf32>,
          %parallel_loop3A_324 = arith.constant 16 : i32
          %parallel_loop3A_325 = arith.muli %parallel_loop3A_181, %parallel_loop3A_324 : i32
          %parallel_loop3A_326 = arith.constant 15 : i32
          %parallel_loop3A_327 = arith.index_cast %parallel_loop3A_326 : i32 to index
          %parallel_loop3A_328 = arith.index_cast %parallel_loop3A_325 : i32 to index
          %parallel_loop3A_329 = tpu.vector_load %arg11[%parallel_loop3A_327, %parallel_loop3A_328] {strides = array<i32>} : memref<16x2048xf32, #tpu.memory_space<vmem>>, vector<16xf32>,
          tpu.vector_store %arg11[%parallel_loop3A_327, %parallel_loop3A_328], %parallel_loop3A_323 {strides = array<i32>} : memref<16x2048xf32, #tpu.memory_space<vmem>>, vector<16xf32>,
        } {sc.loop_unroll_factor = 1 : i64, sc.parallel_access}
        %mul3A_173 = arith.constant 32 : i32
        %mul3A_174 = arith.muli %add3A_129, %mul3A_173 : i32
        %add3A_175 = arith.addi %add3A, %mul3A_174 : i32
        %mul3A_176 = arith.constant 16 : i32
        %mul3A_177 = arith.muli %add3A_175, %mul3A_176 : i32
        %dma_start3A = arith.constant 0 : i32
        %dma_start3A_178 = tpu.memref_slice %arg4[%mul3A_177, %dma_start3A] : memref<50000x2048xf32, #tpu.memory_space<hbm>> -> memref<16x2048xf32, #tpu.memory_space<hbm>>
        %dma_start3A_179 = arith.constant 0 : i32
        %dma_start3A_180 = tpu.memref_slice %arg4[%mul3A_177, %dma_start3A_179] : memref<50000x2048xf32, #tpu.memory_space<hbm>> -> memref<16x2048xf32, #tpu.memory_space<hbm>>
        tpu.enqueue_dma source(%arg11 : memref<16x2048xf32, #tpu.memory_space<vmem>>) target(%dma_start3A_180 : memref<16x2048xf32, #tpu.memory_space<hbm>>) target_semaphore(%arg17 : memref<!tpu.dma_semaphore, #tpu.memory_space<semaphore_mem>>)
      } else {
      }
      %add3A_159 = arith.constant 3 : i32
      %add3A_160 = arith.addi %add3A_129, %add3A_159 : i32
      %sub3A_161 = arith.constant 1 : i32
      %sub3A_162 = arith.subi %add3A_160, %sub3A_161 : i32
      %mul3A_163 = arith.constant 32 : i32
      %mul3A_164 = arith.muli %sub3A_162, %mul3A_163 : i32
      %add3A_165 = arith.addi %add3A, %mul3A_164 : i32
      %lt3A_166 = arith.constant 3125 : i32
      %lt3A_167 = arith.cmpi slt, %add3A_165, %lt3A_166 : i32
      %convert_element_type3A_168 = arith.extui %lt3A_167 : i1 to i32
      %cond3A_169 = arith.constant 0 : i32
      %cond3A_170 = arith.cmpi ne, %convert_element_type3A_168, %cond3A_169 : i32
      scf.if %cond3A_170 {
        %mul3A_171 = arith.constant 32 : i32
        %mul3A_172 = arith.muli %sub3A_162, %mul3A_171 : i32
        %add3A_173 = arith.addi %add3A, %mul3A_172 : i32
        %mul3A_174 = arith.constant 16 : i32
        %mul3A_175 = arith.muli %add3A_173, %mul3A_174 : i32
        %dma_start3A = arith.constant 0 : i32
        %dma_start3A_176 = tpu.memref_slice %arg2[%mul3A_175, %dma_start3A] : memref<50000x512xf32, #tpu.memory_space<hbm>> -> memref<16x512xf32, #tpu.memory_space<hbm>>
        %dma_start3A_177 = arith.constant 0 : i32
        %dma_start3A_178 = tpu.memref_slice %arg2[%mul3A_175, %dma_start3A_177] : memref<50000x512xf32, #tpu.memory_space<hbm>> -> memref<16x512xf32, #tpu.memory_space<hbm>>
        tpu.enqueue_dma source(%dma_start3A_178 : memref<16x512xf32, #tpu.memory_space<hbm>>) target(%arg7 : memref<16x512xf32, #tpu.memory_space<vmem>>) target_semaphore(%arg13 : memref<!tpu.dma_semaphore, #tpu.memory_space<semaphore_mem>>)
      } else {
      }
    }
    %scan3A_16 = arith.constant 33 : i32
    %add3A_17 = arith.constant 3072 : i32
    %add3A_18 = arith.addi %add3A, %add3A_17 : i32
    %lt3A_19 = arith.constant 3125 : i32
    %lt3A_20 = arith.cmpi slt, %add3A_18, %lt3A_19 : i32
    %convert_element_type3A_21 = arith.extui %lt3A_20 : i1 to i32
    %cond3A_22 = arith.constant 0 : i32
    %cond3A_23 = arith.cmpi ne, %convert_element_type3A_21, %cond3A_22 : i32
    scf.if %cond3A_23 {
      %dma_wait3A = arith.constant 0 : i32
      %dma_wait3A_38 = arith.constant 0 : i32
      %dma_wait3A_39 = tpu.memref_slice %arg4[%dma_wait3A, %dma_wait3A_38] : memref<50000x2048xf32, #tpu.memory_space<hbm>> -> memref<16x2048xf32, #tpu.memory_space<hbm>>
      %dma_wait3A_40 = arith.constant 0 : i32
      %dma_wait3A_41 = arith.constant 0 : i32
      %dma_wait3A_42 = tpu.memref_slice %arg4[%dma_wait3A_40, %dma_wait3A_41] : memref<50000x2048xf32, #tpu.memory_space<hbm>> -> memref<16x2048xf32, #tpu.memory_space<hbm>>
      tpu.wait_dma2 semaphore(%arg15 : memref<!tpu.dma_semaphore, #tpu.memory_space<semaphore_mem>>) src(%arg9 : memref<16x2048xf32, #tpu.memory_space<vmem>>) dst(%dma_wait3A_42 : memref<16x2048xf32, #tpu.memory_space<hbm>>)
    } else {
    }
    %add3A_24 = arith.constant 3104 : i32
    %add3A_25 = arith.addi %add3A, %add3A_24 : i32
    %lt3A_26 = arith.constant 3125 : i32
    %lt3A_27 = arith.cmpi slt, %add3A_25, %lt3A_26 : i32
    %convert_element_type3A_28 = arith.extui %lt3A_27 : i1 to i32
    %cond3A_29 = arith.constant 0 : i32
    %cond3A_30 = arith.cmpi ne, %convert_element_type3A_28, %cond3A_29 : i32
    scf.if %cond3A_30 {
      %dma_wait3A = arith.constant 0 : i32
      %dma_wait3A_38 = arith.constant 0 : i32
      %dma_wait3A_39 = tpu.memref_slice %arg4[%dma_wait3A, %dma_wait3A_38] : memref<50000x2048xf32, #tpu.memory_space<hbm>> -> memref<16x2048xf32, #tpu.memory_space<hbm>>
      %dma_wait3A_40 = arith.constant 0 : i32
      %dma_wait3A_41 = arith.constant 0 : i32
      %dma_wait3A_42 = tpu.memref_slice %arg4[%dma_wait3A_40, %dma_wait3A_41] : memref<50000x2048xf32, #tpu.memory_space<hbm>> -> memref<16x2048xf32, #tpu.memory_space<hbm>>
      tpu.wait_dma2 semaphore(%arg16 : memref<!tpu.dma_semaphore, #tpu.memory_space<semaphore_mem>>) src(%arg10 : memref<16x2048xf32, #tpu.memory_space<vmem>>) dst(%dma_wait3A_42 : memref<16x2048xf32, #tpu.memory_space<hbm>>)
    } else {
    }
    %add3A_31 = arith.constant 3136 : i32
    %add3A_32 = arith.addi %add3A, %add3A_31 : i32
    %lt3A_33 = arith.constant 3125 : i32
    %lt3A_34 = arith.cmpi slt, %add3A_32, %lt3A_33 : i32
    %convert_element_type3A_35 = arith.extui %lt3A_34 : i1 to i32
    %cond3A_36 = arith.constant 0 : i32
    %cond3A_37 = arith.cmpi ne, %convert_element_type3A_35, %cond3A_36 : i32
    scf.if %cond3A_37 {
      %dma_wait3A = arith.constant 0 : i32
      %dma_wait3A_38 = arith.constant 0 : i32
      %dma_wait3A_39 = tpu.memref_slice %arg4[%dma_wait3A, %dma_wait3A_38] : memref<50000x2048xf32, #tpu.memory_space<hbm>> -> memref<16x2048xf32, #tpu.memory_space<hbm>>
      %dma_wait3A_40 = arith.constant 0 : i32
      %dma_wait3A_41 = arith.constant 0 : i32
      %dma_wait3A_42 = tpu.memref_slice %arg4[%dma_wait3A_40, %dma_wait3A_41] : memref<50000x2048xf32, #tpu.memory_space<hbm>> -> memref<16x2048xf32, #tpu.memory_space<hbm>>
      tpu.wait_dma2 semaphore(%arg17 : memref<!tpu.dma_semaphore, #tpu.memory_space<semaphore_mem>>) src(%arg11 : memref<16x2048xf32, #tpu.memory_space<vmem>>) dst(%dma_wait3A_42 : memref<16x2048xf32, #tpu.memory_space<hbm>>)
    } else {
    }
    return
  }
}

</mosaic_0001>

<sc_bundles>
// kernel: kernel.3.cloned.1.call-start
scs
__scs_entry_jumppad:
0x0: {  	(pc) =	sbr.rel $0x88, $3  }
0x1: {  	(tag) =	ssettag $0x0;
	lr =	simm.s32 $0x1  }
0x2: {  	[smem:$0x3F9F] =	sst lr;
	_ =	strace $0xD0000000  }
0x3: {  	_ = 	snop  }
0x4: {  	_ = 	snop  }
0x5: {  	_ = 	snop  }
0x6: {  	_ = 	snop  }
0x7: {  	_ = 	snop  }
__scs_overlays_trampoline_lowered:
0x8: {  	[smem:$0x3FAE] =	sst s0  }
0x9: {  	[smem:$0x3FAF] =	sst s1  }
0xa: {  	[smem:$0x3FB0] =	sst s2  }
0xb: {  	[smem:$0x3FB1] =	sst s3  }
0xc: {  	[smem:$0x3FB2] =	sst s4  }
0xd: {  	[smem:$0x3FB3] =	sst s5  }
0xe: {  	[smem:$0x3FB4] =	sst s6  }
0xf: {  	[smem:$0x3FB5] =	sst s7  }
0x10: {  	[smem:$0x3FB6] =	sst s8  }
0x11: {  	[smem:$0x3FB7] =	sst s9;
	s0 =	simm.s32 @!p0 $0x0  }
0x12: {  	s1 =	sld [smem:$0x3F9D];
	s0 =	simm.s32 @p0 $0x1  }
0x13: {  	[smem:$0x3FB8] =	sst s0;
	s0 =	simm.s32 @!p1 $0x0  }
0x14: {  	s2 =	sld [smem:$0x3F9C];
	s0 =	simm.s32 @p1 $0x1  }
0x15: {  	[smem:$0x3FB9] =	sst s0;
	s0 =	simm.s32 @!p2 $0x0  }
0x16: {  	s3 =	sld [smem:$0x3FDB];
	s0 =	simm.s32 @p2 $0x1  }
0x17: {  	s4 =	simm.s32 $0x1BF5;
	[smem:$0x3FBB] =	sst s0  }
0x18: {  	s0 =	sld [smem:$0x3F9E];
	_ =	swait.ge [sflag:s4], $0x0  }
0x19: {  	s7 =	sld [smem:$0x3F9F]  }
0x1a: {  	s8 =	sadd.s32 $0xFFFFE003, lr  }
0x1b: {  	s9 =	sadd.s32 $0xFFFFFEF7, lr;
	s5 =	simm.s32 $0xFFFFFFFF;
	p2 =	slt.u32 s8, $0xFFFFF086  }
0x1c: {  	p1 =	slt.u32 s9, $0xF7A;
	s5 =	simm.s32 @!p2 $0x0  }
0x1d: {  	s5 =	simm.s32 @p1 $0x1;
	p0 =	seq.s32 s7, s2  }
0x1e: {  	s7 =	smul.u32 @!p0 $0xF7A, s2;
	p2 =	seq.s32 @!p0 s5, $0x0  }
0x1f: {  	s9 =	smul.u32 $0xF7A, s1;
	s8 =	simm.s32 @!p0 $0x1BF5;
	p2 =	por !p2, p0  }
0x20: {  	[sflag:s8] =	ssyncset.s32 @!p0 $0xFFFFF086;
	s6 =	sadd.s32 @!p0 s3, s7;
	s7 =	simm.s32 @!p0 $0x108  }
0x21: {  	s3 =	sadd.s32 s3, s9;
	s6 =	sadd.s32 @!p0 $0x88, s6;
	s7 =	simm.s32 @p2 $0x1082  }
0x22: {  	[simem:s7], [sflag:s8] =	dma.local @!p0 [hbm:s6], $0xF7A  }
0x23: {  	s9 =	sor.u32 $0xD0000000, s2;
	s6 =	simm.s32 $0x108;
	_ =	swait.ge @!p0 [sflag:s8], $0x0  }
0x24: {  	s3 =	sadd.s32 $0x88, s3;
	s6 =	simm.s32 @!p1 $0x1082;
	[sflag:s4] =	ssyncset.s32 $0xFFFFF086  }
0x25: {  	[simem:s6], [sflag:s4] =	dma.local [hbm:s3], $0xF7A  }
0x26: {  	[smem:$0x3F9F] =	sst s1;
	(tag) =	ssettag s2;
	_ =	strace s9  }
0x27: {  	s1 =	sld [smem:$0x3FAF]  }
0x28: {  	s2 =	sld [smem:$0x3FB0]  }
0x29: {  	s4 =	sld [smem:$0x3FB2]  }
0x2a: {  	p0 =	seq.s32 s5, $0x0;
	s5 =	sld [smem:$0x3FB3]  }
0x2b: {  	s6 =	sld [smem:$0x3FB4]  }
0x2c: {  	s7 =	sld [smem:$0x3FB5]  }
0x2d: {  	s3 =	simm.s32 $0x108;
	s8 =	sld [smem:$0x3FB6]  }
0x2e: {  	s3 =	simm.s32 @!p0 $0x1082;
	s9 =	sld [smem:$0x3FB7]  }
0x2f: {  	lr =	sadd.s32 s0, s3;
	s0 =	sld [smem:$0x3FAE]  }
0x30: {  	s3 =	sld [smem:$0x3FB1]  }
0x31: {  	[smem:$0x3FBA] =	sst s10  }
0x32: {  	s10 =	sld [smem:$0x3FB8];
	_ =	sdelay $0x3  }
0x33: {  	p0 =	seq.s32 s10, $0x1;
	s10 =	sld [smem:$0x3FBA];
	_ =	sdelay $0x3  }
0x34: {  	[smem:$0x3FBA] =	sst s10  }
0x35: {  	s10 =	sld [smem:$0x3FB9];
	_ =	sdelay $0x3  }
0x36: {  	p1 =	seq.s32 s10, $0x1;
	s10 =	sld [smem:$0x3FBA];
	_ =	sdelay $0x3  }
0x37: {  	[smem:$0x3FBA] =	sst s10  }
0x38: {  	s10 =	sld [smem:$0x3FBB]  }
0x39: {  	_ = 	snop;
	(pc) =	sbr.ind lr, $3  }
0x3a: {  	_ = 	snop  }
0x3b: {  	_ = 	snop  }
0x3c: {  	p2 =	seq.s32 s10, $0x1;
	s10 =	sld [smem:$0x3FBA]  }
0x3d: {  	_ =	shalt  }
0x3e: {  	_ =	shalt  }
0x3f: {  	_ =	shalt  }
0x40: {  	_ =	shalt  }
0x41: {  	_ =	shalt  }
0x42: {  	_ =	shalt  }
0x43: {  	_ =	shalt  }
0x44: {  	_ =	shalt  }
0x45: {  	_ =	shalt  }
0x46: {  	_ =	shalt  }
0x47: {  	_ =	shalt  }
0x48: {  	_ =	shalt  }
0x49: {  	_ =	shalt  }
0x4a: {  	_ =	shalt  }
0x4b: {  	_ =	shalt  }
0x4c: {  	_ =	shalt  }
0x4d: {  	_ =	shalt  }
0x4e: {  	_ =	shalt  }
0x4f: {  	_ =	shalt  }
0x50: {  	_ =	shalt  }
0x51: {  	_ =	shalt  }
0x52: {  	_ =	shalt  }
0x53: {  	_ =	shalt  }
0x54: {  	_ =	shalt  }
0x55: {  	_ =	shalt  }
0x56: {  	_ =	shalt  }
0x57: {  	_ =	shalt  }
0x58: {  	_ =	shalt  }
0x59: {  	_ =	shalt  }
0x5a: {  	_ =	shalt  }
0x5b: {  	_ =	shalt  }
0x5c: {  	_ =	shalt  }
0x5d: {  	_ =	shalt  }
0x5e: {  	_ =	shalt  }
0x5f: {  	_ =	shalt  }
0x60: {  	_ =	shalt  }
0x61: {  	_ =	shalt  }
0x62: {  	_ =	shalt  }
0x63: {  	_ =	shalt  }
0x64: {  	_ =	shalt  }
0x65: {  	_ =	shalt  }
0x66: {  	_ =	shalt  }
0x67: {  	_ =	shalt  }
0x68: {  	_ =	shalt  }
0x69: {  	_ =	shalt  }
0x6a: {  	_ =	shalt  }
0x6b: {  	_ =	shalt  }
0x6c: {  	_ =	shalt  }
0x6d: {  	_ =	shalt  }
0x6e: {  	_ =	shalt  }
0x6f: {  	_ =	shalt  }
0x70: {  	_ =	shalt  }
0x71: {  	_ =	shalt  }
0x72: {  	_ =	shalt  }
0x73: {  	_ =	shalt  }
0x74: {  	_ =	shalt  }
0x75: {  	_ =	shalt  }
0x76: {  	_ =	shalt  }
0x77: {  	_ =	shalt  }
0x78: {  	_ =	shalt  }
0x79: {  	_ =	shalt  }
0x7a: {  	_ =	shalt  }
0x7b: {  	_ =	shalt  }
0x7c: {  	_ =	shalt  }
0x7d: {  	_ =	shalt  }
0x7e: {  	_ =	shalt  }
0x7f: {  	_ =	shalt  }
0x80: {  	_ =	shalt  }
0x81: {  	_ =	shalt  }
0x82: {  	_ =	shalt  }
0x83: {  	_ =	shalt  }
0x84: {  	_ =	shalt  }
0x85: {  	_ =	shalt  }
0x86: {  	_ =	shalt  }
0x87: {  	_ =	shalt  }
.Lfunc_end0:
.L_simem_size_0:
called_computation_lowered:
.L_overlay_start_0:
0x88: {  	s2 =	sld [smem:$0x3FD9]  }
0x89: {  	s3 =	sld [smem:$0x3FFE];
	_ =	sdelay $0x1  }
0x8a: {  	s1 =	srdreg.scid  }
0x8b: {  	s0 =	sand.u32 $0x1, s1  }
0x8c: {  	s18 =	sshll.u32 s0, $0xA;
	s2 =	sadd.s32 s3, s2  }
0x8d: {  	s2 =	sadd.s32 s2, s18  }
0x8e: {  	[smem:$0x3FC6] =	sst s2  }
0x8f: {  	_ = 	snop  }
0x90: {  	s2 =	sld [smem:$0x3FC9]  }
0x91: {  	s19 =	sld [smem:$0x3FC8]  }
0x92: {  	s4 =	sld [smem:$0x3FD0];
	(tm) =	ssettm $0x1  }
0x93: {  	s5 =	sld [smem:$0x3FFB];
	_ =	sdelay $0x3  }
0x94: {  	_ =	strace s5  }
0x95: {  	s5 =	sld [smem:$0x3FFC];
	_ =	sdelay $0x3  }
0x96: {  	_ =	strace s5  }
0x97: {  	s5 =	sld [smem:$0x3FFD];
	_ =	sdelay $0x3  }
0x98: {  	_ =	strace s5  }
0x99: {  	_ =	strace $0x8FFFFFFF  }
0x9a: {  	s20 =	sld [smem:$0x3FDB];
	_ =	sdelay $0x1  }
0x9b: {  	s6 =	simm.s32 $_scs_section_size  }
0x9c: {  	s7 =	simm.s32 $_size__tile_overlayer_lowered;
	s8 =	simm.s32 $_tile_overlayer_lowered  }
0x9d: {  	s23 =	simm.s32 $0x1BFF;
	s22 =	sshll.u32 s8, $0x1;
	s5 =	sadd.s32 s6, s20  }
0x9e: {  	s9 =	simm.s32 $0x0;
	s21 =	sshll.u32 s7, $0x1;
	s7 =	sadd.s32 s22, s5  }
0x9f: {  	[timem:s9], [sflag:s23] =	dma.local [hbm:s7], s21  }
0xa0: {  	_ =	swait.ge [sflag:s23], s21  }
0xa1: {  	s6 =	ssub.s32 $0x0, s21;
	[sflag:s23] =	ssyncset.done $0x0  }
0xa2: {  	[sflag:s23] =	ssyncadd.s32 s6;
	_ =	sdelay $0x1  }
0xa3: {  	s24 =	simm.s32 $0x1B8B  }
0xa4: {  	_ =	swait.ge [sflag:s24], $0x1  }
0xa5: {  	[sflag:s24] =	ssyncset.done $0x0  }
0xa6: {  	s25 =	simm.s32 $0x1B8E;
	[sflag:s24] =	ssyncadd.s32 $0xFFFFFFFF  }
0xa7: {  	s26 =	simm.s32 $execute0_lowered;
	[smem:$0x3FD2] =	sst s25  }
0xa8: {  	s6 =	sshll.u32 s26, $0x1;
	_ =	strace $0x80000046;
	[dreg:$0x1] =	wrdreg $0xFFFFFFFF  }
0xa9: {  	s28 =	simm.s32 $_size_execute0_lowered;
	s5 =	sadd.s32 s5, s6;
	[dreg:$0x0] =	wrdreg $0x0  }
0xaa: {  	s6 =	sshll.u32 s28, $0x1;
	[dreg:$0x2] =	wrdreg s5  }
0xab: {  	[dreg:$0x3] =	wrdreg s6  }
0xac: {  	[dreg:$0x4] =	wrdreg $0xC0  }
0xad: {  	_ =	task [dreg:s9], $0x5FFFF  }
0xae: {  	[dreg:$0x1] =	wrdreg $0xFFFFFFFF  }
0xaf: {  	[dreg:$0x0] =	wrdreg $0x60  }
0xb0: {  	[dreg:$0x2] =	wrdreg s2  }
0xb1: {  	[dreg:$0x3] =	wrdreg s19  }
0xb2: {  	[dreg:$0x4] =	wrdreg s4  }
0xb3: {  	[dreg:$0x5] =	wrdreg $0x9  }
0xb4: {  	_ =	task.clear_ibuf [dreg:s9], $0x6FFFF;
	_ =	strace $0x90000046  }
0xb5: {  	s29 =	simm.s32 $0x9;
	_ =	strace $0x80000048  }
0xb6: {  	_ =	swait.ge [sflag:s29], $0x1  }
0xb7: {  	[sflag:s29] =	ssyncadd.s32 $0xFFFFFFFF  }
0xb8: {  	_ =	strace $0x90000048  }
0xb9: {  	_ =	sfence  }
0xba: {  	s30 =	sld [smem:$0x0];
	_ =	sdelay $0x2  }
0xbb: {  	s31 =	sshll.u32 s1, $0xD;
	s1 =	sshrl.u32 s1, $0x2  }
0xbc: {  	s3 =	sand.u32 $0x4000, s31;
	s1 =	sadd.s32 s1, s30  }
0xbd: {  	s0 =	sor.u32 s3, s0;
	s1 =	sshll.u32 s1, $0x11  }
0xbe: {  	s0 =	sor.u32 s1, s0  }
0xbf: {  	s0 =	sadd.s32 $0x8F2B, s0  }
0xc0: {  	[sflag:s0] =	ssyncadd.remote.s32 $0x1  }
0xc1: {  	_ =	sfence.sel $0xFFFF  }
0xc2: {  	[dreg:$0x0] =	wrdreg $0xFFFFFFFF;
	(pc) =	sbr.abs _section_cstart, $3  }
0xc3: {  	[dreg:$0x1] =	wrdreg $0xFFFFFFFF  }
0xc4: {  	_ =	task.clear_ibuf [dreg:s9], $0x2FFFF;
	_ =	strace $0x9FFFFFFF  }
0xc5: {  	(tm) =	ssettm $0x7FFFFFFF  }
tec
execute0_lowered:
.L_overlay_start_1:
0x0: {  	(tag) =	ssettag $0x1  }
0x1: {  	s1 =	rddreg [dreg:$0x0];
	s0 =	srdreg.scid  }
0x2: {  	s2 =	stileid.u32;
	s4 =	rddreg [dreg:$0x2];
	s5 =	simm.s32 $0x0  }
0x3: {  	s15 =	simm.s32 $0x800;
	s16 =	simm.s32 $0x2800;
	s17 =	simm.s32 $0x1  }
0x4: {  	s20 =	simm.s32 $0x4800;
	s0 =	sand.u32 $0x1, s0;
	s2 =	sshll.u32 s2, $0x1  }
0x5: {  	[smem:$0x7FF] =	sst s5;
	s6 =	sor.u32 s0, s2;
	s0 =	ssub.s32 $0x2, s0  }
0x6: {  	_ =	strace $0x80000047;
	s2 =	sshll.u32 s6, $0xA;
	s3 =	sshrl.u32 s0, $0x1  }
.Ltmp0:
0x7: {  	s31 =	sor.u32 $0x40, s6;
	s10 =	sor.u32 $0x20, s6;
	(pc) =	sbr.rel .LBB2_1-.Ltmp0, $4  }
0x8: {  	s11 =	sor.u32 $0x60, s6;
	s2 =	sadd.s32 s1, s2;
	[dreg:$0x6] =	wrdreg s31  }
0x9: {  	s0 =	ssub.s32 s0, s3;
	[dreg:$0x4] =	wrdreg s2;
	s2 =	sadd.s32 $0x8000, s2  }
0xa: {  	s12 =	sor.u32 $0x80, s6;
	s0 =	smax.u32 s0, $0x1;
	[dreg:$0x5] =	wrdreg s2  }
0xb: {  	p0 =	sgt.u32 s6, $0x14;
	s3 =	simm.s32 $0x0;
	[dreg:$0x7] =	wrdreg s0  }
.LBB2_13:
0xc: {  	s0 =	simm.s32 $0x4  }
0xd: {  	_ =	swait.ge [sflag:s0], $0x8000  }
0xe: {  	[sflag:s0] =	ssyncset.done $0x0  }
0xf: {  	[sflag:s0] =	ssyncadd.s32 $0xFFFF8000;
	s0 =	simm.s32 @!p0 $0x5  }
0x10: {  	_ =	swait.ge @!p0 [sflag:s0], $0x8000  }
0x11: {  	s3 =	rddreg [dreg:$0x8]  }
0x12: {  	s2 =	rddreg [dreg:$0x7];
	s3 =	sadd.s32 $0x1, s3  }
0x13: {  	p1 =	sne.s32 s3, s2  }
.Ltmp1:
0x14: {  	_ = 	snop;
	(pc) =	sbr.rel @!p1 .LBB2_14-.Ltmp1, $3  }
0x15: {  	_ =	sdelay $0x1  }
0x16: {  	[sflag:s0] =	ssyncset.done @!p0 $0x0  }
0x17: {  	[sflag:s0] =	ssyncadd.s32 @!p0 $0xFFFF8000  }
.LBB2_1:
0x18: {  	[dreg:$0x8] =	wrdreg s3  }
0x19: {  	s0 =	rddreg [dreg:$0x1];
	s29 =	simm.s32 $0x7  }
0x1a: {  	[tilespmem:s5], [sflag:$0x7] =	stream.linear.gather [hbm4b:s0+s5], $0x800, $0x38;
	[tilespmem:$0x1E800] =	vst v63  }
0x1b: {  	_ =	swait.ge [sflag:s29], $0x800  }
.Ltmp2:
0x1c: {  	[sflag:s29] =	ssyncset.done $0x0;
	(pc) =	sbr.rel .LBB2_2-.Ltmp2, $4  }
0x1d: {  	s30 =	rddreg [dreg:$0x4];
	[sflag:s29] =	ssyncadd.s32 $0xFFFFF800  }
0x1e: {  	[tilespmem:s15], [sflag:$0x1] =	stream.linear.gather [hbm4b:s30+s5], $0x2000, $0x38;
	[tilespmem:$0x1E800] =	vst v63  }
0x1f: {  	s24 =	simm.s32 $0x0;
	s31 =	rddreg [dreg:$0x5]  }
0x20: {  	[tilespmem:s16], [sflag:$0x2] =	stream.linear.gather [hbm4b:s31+s5], $0x2000, $0x38;
	[tilespmem:$0x1E800] =	vst v63  }
.LBB2_12:
0x21: {  	s0 =	sadd.s32 s12, s25  }
0x22: {  	p1 =	sgt.u32 s0, $0xC34  }
0x23: {  	s24 =	sadd.s32 $0x1, s24;
	s0 =	sshll.u32 @!p1 s0, $0xA  }
0x24: {  	s2 =	simm.s32 @!p1 $0x0;
	s3 =	simm.s32 @!p1 $0x2800;
	s0 =	sadd.s32 @!p1 s1, s0  }
0x25: {  	[tilespmem:s3], [sflag:$0x2] =	stream.linear.gather @!p1 [hbm4b:s0+s2], $0x2000, $0x38;
	[tilespmem:$0x1E800] =	vst v63  }
0x26: {  	p1 =	sne.s32 s24, $0x21  }
.Ltmp3:
0x27: {  	_ = 	snop;
	(pc) =	sbr.rel @!p1 .LBB2_13-.Ltmp3, $1  }
0x28: {  	_ =	sdelay $0x3  }
.LBB2_2:
0x29: {  	_ =	swait.ge [sflag:s17], $0x2000  }
0x2a: {  	p1 =	seq.s32 s24, $0x0;
	[sflag:s17] =	ssyncset.done $0x0  }
0x2b: {  	s0 =	simm.s32 @!p1 $0x4;
	[sflag:s17] =	ssyncadd.s32 $0xFFFFE000  }
0x2c: {  	_ =	swait.ge @!p1 [sflag:s0], $0x8000  }
0x2d: {  	[sflag:s0] =	ssyncset.done @!p1 $0x0  }
0x2e: {  	s2 =	simm.s32 $0x0;
	[sflag:s0] =	ssyncadd.s32 @!p1 $0xFFFF8000  }
0x2f: {  	v0 =	vld [tilespmem:s2+$0x0];
	_ =	sdelay $0x4  }
0x30: {  	v1 =	vshll.u32 v0, $0x3  }
0x31: {  	v0 =	vand.u32 $0x7F, v0;
	v1 =	vand.u32 $0xFFFFFC00, v1  }
0x32: {  	v6 =	vor.u32 v0, v1;
	_ =	sdelay $0x4  }
0x33: {  	v0 =	vld.idx.msk [tilespmem:v6+s15+$0x0], $0xffff  }
0x34: {  	v1 =	vor.u32 $0x80, v6  }
0x35: {  	s3 =	simm.s32 $0x10  }
0x36: {  	s26 =	sand.u32 $0x70, s2;
	s7 =	sand.u32 $0x3C00, s2;
	v2 =	vld [tilespmem:s3+$0x0]  }
0x37: {  	s0 =	sor.u32 s26, s7  }
0x38: {  	[tilespmem:s0+$0x6800] =	vst v0  }
0x39: {  	v0 =	vld.idx.msk [tilespmem:v1+s15+$0x0], $0xffff  }
0x3a: {  	v1 =	vor.u32 $0x100, v6  }
0x3b: {  	v3 =	vshll.u32 v2, $0x3  }
0x3c: {  	v2 =	vand.u32 $0x7F, v2;
	v3 =	vand.u32 $0xFFFFFC00, v3  }
0x3d: {  	v2 =	vor.u32 v2, v3  }
0x3e: {  	[tilespmem:s0+$0x6880] =	vst v0  }
0x3f: {  	v0 =	vld.idx.msk [tilespmem:v1+s15+$0x0], $0xffff  }
0x40: {  	v1 =	vor.u32 $0x180, v6;
	_ =	sdelay $0x1  }
0x41: {  	v3 =	vld.idx.msk [tilespmem:v2+s15+$0x0], $0xffff  }
0x42: {  	s31 =	simm.s32 $0x20;
	v4 =	vor.u32 $0x80, v2  }
0x43: {  	s8 =	simm.s32 $0x80;
	v5 =	vld [tilespmem:s31+$0x0];
	[tilespmem:s0+$0x6900] =	vst v0  }
0x44: {  	s8 =	sand.u32 $0x3C00, s8;
	s3 =	sand.u32 $0x70, s3;
	v0 =	vld.idx.msk [tilespmem:v1+s15+$0x0], $0xffff  }
0x45: {  	s28 =	sor.u32 s3, s8;
	v1 =	vor.u32 $0x200, v6  }
0x46: {  	[tilespmem:s28+$0x6800] =	vst v3  }
0x47: {  	v3 =	vld.idx.msk [tilespmem:v4+s15+$0x0], $0xffff  }
0x48: {  	v7 =	vshll.u32 v5, $0x3;
	v4 =	vor.u32 $0x100, v2  }
0x49: {  	[tilespmem:s0+$0x6980] =	vst v0;
	v0 =	vand.u32 $0x7F, v5;
	v5 =	vand.u32 $0xFFFFFC00, v7  }
0x4a: {  	v1 =	vld.idx.msk [tilespmem:v1+s15+$0x0], $0xffff;
	v0 =	vor.u32 v0, v5  }
0x4b: {  	v5 =	vor.u32 $0x280, v6  }
0x4c: {  	[tilespmem:s28+$0x6880] =	vst v3  }
0x4d: {  	v3 =	vld.idx.msk [tilespmem:v4+s15+$0x0], $0xffff  }
0x4e: {  	v4 =	vor.u32 $0x180, v2  }
0x4f: {  	v7 =	vld.idx.msk [tilespmem:v0+s15+$0x0], $0xffff;
	[tilespmem:s0+$0x6A00] =	vst v1  }
0x50: {  	v1 =	vld.idx.msk [tilespmem:v5+s15+$0x0], $0xffff;
	v5 =	vor.u32 $0x80, v0  }
0x51: {  	s9 =	simm.s32 $0x30;
	s13 =	simm.s32 $0x100;
	v8 =	vor.u32 $0x300, v6  }
0x52: {  	s7 =	sand.u32 $0x70, s31;
	v9 =	vld [tilespmem:s9+$0x0];
	s8 =	sand.u32 $0x3C00, s13;
	[tilespmem:s28+$0x6900] =	vst v3  }
0x53: {  	s26 =	sor.u32 s7, s8;
	v3 =	vld.idx.msk [tilespmem:v4+s15+$0x0], $0xffff  }
0x54: {  	v4 =	vor.u32 $0x200, v2;
	[tilespmem:s26+$0x6800] =	vst v7  }
0x55: {  	v5 =	vld.idx.msk [tilespmem:v5+s15+$0x0], $0xffff;
	[tilespmem:s0+$0x6A80] =	vst v1  }
0x56: {  	v7 =	vld.idx.msk [tilespmem:v8+s15+$0x0], $0xffff;
	v8 =	vor.u32 $0x100, v0  }
0x57: {  	v10 =	vor.u32 $0x380, v6;
	v1 =	vshll.u32 v9, $0x3  }
0x58: {  	[tilespmem:s28+$0x6980] =	vst v3;
	v3 =	vand.u32 $0x7F, v9;
	v1 =	vand.u32 $0xFFFFFC00, v1  }
0x59: {  	v4 =	vld.idx.msk [tilespmem:v4+s15+$0x0], $0xffff;
	v1 =	vor.u32 v3, v1  }
0x5a: {  	v3 =	vor.u32 $0x280, v2;
	[tilespmem:s26+$0x6880] =	vst v5  }
0x5b: {  	v5 =	vld.idx.msk [tilespmem:v8+s15+$0x0], $0xffff;
	[tilespmem:s0+$0x6B00] =	vst v7  }
0x5c: {  	v8 =	vor.u32 $0x180, v0;
	v7 =	vld.idx.msk [tilespmem:v10+s15+$0x0], $0xffff  }
0x5d: {  	s2 =	sand.u32 $0x7, s2;
	v9 =	vadd.s32 $0x1000, v6  }
0x5e: {  	s2 =	sshll.u32 s2, $0x4;
	[tilespmem:s28+$0x6A00] =	vst v4;
	v10 =	vld.idx.msk [tilespmem:v1+s15+$0x0], $0xffff  }
0x5f: {  	s14 =	simm.s32 $0x40;
	s2 =	sadd.s32 $0x0, s2;
	v4 =	vor.u32 $0x80, v1;
	v3 =	vld.idx.msk [tilespmem:v3+s15+$0x0], $0xffff  }
0x60: {  	s18 =	simm.s32 $0x180;
	v11 =	vld [tilespmem:s14+$0x0];
	s2 =	sor.u32 $0x380, s2;
	[tilespmem:s26+$0x6900] =	vst v5;
	v5 =	vor.u32 $0x300, v2  }
0x61: {  	s3 =	sand.u32 $0x70, s9;
	s8 =	sand.u32 $0x3C00, s18;
	v8 =	vld.idx.msk [tilespmem:v8+s15+$0x0], $0xffff;
	[tilespmem:s2+$0x6800] =	vst v7  }
0x62: {  	s29 =	sor.u32 s3, s8;
	v7 =	vld.idx.msk [tilespmem:v9+s15+$0x0], $0xffff;
	v9 =	vor.u32 $0x200, v0  }
0x63: {  	[tilespmem:s29+$0x6800] =	vst v10;
	v10 =	vadd.s32 $0x1080, v6  }
0x64: {  	[tilespmem:s28+$0x6A80] =	vst v3;
	v4 =	vld.idx.msk [tilespmem:v4+s15+$0x0], $0xffff  }
0x65: {  	v12 =	vor.u32 $0x100, v1;
	v3 =	vshll.u32 v11, $0x3;
	v5 =	vld.idx.msk [tilespmem:v5+s15+$0x0], $0xffff  }
0x66: {  	v11 =	vand.u32 $0x7F, v11;
	v3 =	vand.u32 $0xFFFFFC00, v3;
	[tilespmem:s26+$0x6980] =	vst v8;
	v8 =	vor.u32 $0x380, v2  }
0x67: {  	v3 =	vor.u32 v11, v3;
	v9 =	vld.idx.msk [tilespmem:v9+s15+$0x0], $0xffff;
	[tilespmem:s0+$0xA800] =	vst v7  }
0x68: {  	v7 =	vld.idx.msk [tilespmem:v10+s15+$0x0], $0xffff;
	v10 =	vor.u32 $0x280, v0  }
0x69: {  	[tilespmem:s29+$0x6880] =	vst v4;
	v4 =	vadd.s32 $0x1100, v6  }
0x6a: {  	v11 =	vld.idx.msk [tilespmem:v12+s15+$0x0], $0xffff;
	[tilespmem:s28+$0x6B00] =	vst v5  }
0x6b: {  	s19 =	simm.s32 $0x1;
	v5 =	vld.idx.msk [tilespmem:v8+s15+$0x0], $0xffff;
	v8 =	vor.u32 $0x180, v1  }
0x6c: {  	s2 =	sand.u32 $0x7, s19;
	v12 =	vld.idx.msk [tilespmem:v3+s15+$0x0], $0xffff;
	[tilespmem:s26+$0x6A00] =	vst v9;
	v9 =	vadd.s32 $0x1000, v2  }
0x6d: {  	s2 =	sshll.u32 s2, $0x4;
	v10 =	vld.idx.msk [tilespmem:v10+s15+$0x0], $0xffff;
	[tilespmem:s0+$0xA880] =	vst v7;
	v7 =	vor.u32 $0x80, v3  }
0x6e: {  	s21 =	simm.s32 $0x50;
	s30 =	simm.s32 $0x200;
	v13 =	vor.u32 $0x300, v0;
	s2 =	sadd.s32 $0x80, s2;
	v4 =	vld.idx.msk [tilespmem:v4+s15+$0x0], $0xffff  }
0x6f: {  	s22 =	sand.u32 $0x3C00, s30;
	v14 =	vld [tilespmem:s21+$0x0];
	s7 =	sand.u32 $0x70, s14;
	s2 =	sor.u32 $0x380, s2;
	[tilespmem:s29+$0x6900] =	vst v11;
	v11 =	vadd.s32 $0x1180, v6  }
0x70: {  	v8 =	vld.idx.msk [tilespmem:v8+s15+$0x0], $0xffff;
	[tilespmem:s2+$0x6800] =	vst v5;
	s2 =	sor.u32 s7, s22  }
0x71: {  	v5 =	vld.idx.msk [tilespmem:v9+s15+$0x0], $0xffff;
	[tilespmem:s2+$0x6800] =	vst v12;
	v9 =	vor.u32 $0x200, v1  }
0x72: {  	v7 =	vld.idx.msk [tilespmem:v7+s15+$0x0], $0xffff;
	[tilespmem:s26+$0x6A80] =	vst v10;
	v10 =	vadd.s32 $0x1080, v2  }
0x73: {  	v12 =	vld.idx.msk [tilespmem:v13+s15+$0x0], $0xffff;
	[tilespmem:s0+$0xA900] =	vst v4;
	v13 =	vor.u32 $0x100, v3  }
0x74: {  	s13 =	simm.s32 $0x60;
	v15 =	vor.u32 $0x380, v0;
	v4 =	vshll.u32 v14, $0x3;
	v11 =	vld.idx.msk [tilespmem:v11+s15+$0x0], $0xffff  }
0x75: {  	v16 =	vld [tilespmem:s13+$0x0];
	v4 =	vand.u32 $0xFFFFFC00, v4;
	[tilespmem:s29+$0x6980] =	vst v8;
	v8 =	vand.u32 $0x7F, v14;
	v14 =	vadd.s32 $0x1200, v6  }
0x76: {  	v9 =	vld.idx.msk [tilespmem:v9+s15+$0x0], $0xffff;
	[tilespmem:s28+$0xA800] =	vst v5;
	v4 =	vor.u32 v8, v4  }
0x77: {  	v5 =	vld.idx.msk [tilespmem:v10+s15+$0x0], $0xffff;
	[tilespmem:s2+$0x6880] =	vst v7;
	v7 =	vor.u32 $0x280, v1  }
0x78: {  	v10 =	vadd.s32 $0x1100, v2;
	v8 =	vld.idx.msk [tilespmem:v13+s15+$0x0], $0xffff;
	[tilespmem:s26+$0x6B00] =	vst v12  }
0x79: {  	s23 =	simm.s32 $0x2;
	v12 =	vld.idx.msk [tilespmem:v15+s15+$0x0], $0xffff;
	[tilespmem:s0+$0xA980] =	vst v11;
	v11 =	vor.u32 $0x180, v3  }
0x7a: {  	s7 =	sand.u32 $0x7, s23;
	v13 =	vld.idx.msk [tilespmem:v14+s15+$0x0], $0xffff;
	v14 =	vadd.s32 $0x1000, v0  }
0x7b: {  	s7 =	sshll.u32 s7, $0x4;
	v15 =	vld.idx.msk [tilespmem:v4+s15+$0x0], $0xffff;
	[tilespmem:s29+$0x6A00] =	vst v9;
	v9 =	vadd.s32 $0x1280, v6  }
0x7c: {  	s25 =	sadd.s32 $0x100, s7;
	v7 =	vld.idx.msk [tilespmem:v7+s15+$0x0], $0xffff;
	[tilespmem:s28+$0xA880] =	vst v5;
	v5 =	vor.u32 $0x80, v4  }
0x7d: {  	s7 =	simm.s32 $0x280;
	s8 =	sor.u32 $0x380, s25;
	v10 =	vld.idx.msk [tilespmem:v10+s15+$0x0], $0xffff;
	[tilespmem:s2+$0x6900] =	vst v8;
	v8 =	vor.u32 $0x300, v1  }
0x7e: {  	s3 =	sand.u32 $0x70, s21;
	s14 =	sand.u32 $0x3C00, s7;
	v17 =	vld.idx.msk [tilespmem:v11+s15+$0x0], $0xffff;
	[tilespmem:s8+$0x6800] =	vst v12;
	v11 =	vadd.s32 $0x1180, v2  }
0x7f: {  	s3 =	sor.u32 s3, s14;
	v12 =	vld.idx.msk [tilespmem:v14+s15+$0x0], $0xffff;
	[tilespmem:s0+$0xAA00] =	vst v13  }
0x80: {  	v13 =	vor.u32 $0x200, v3;
	[tilespmem:s3+$0x6800] =	vst v15;
	v9 =	vld.idx.msk [tilespmem:v9+s15+$0x0], $0xffff  }
0x81: {  	v14 =	vld.idx.msk [tilespmem:v5+s15+$0x0], $0xffff;
	[tilespmem:s29+$0x6A80] =	vst v7;
	v7 =	vadd.s32 $0x1080, v0  }
0x82: {  	v8 =	vld.idx.msk [tilespmem:v8+s15+$0x0], $0xffff;
	[tilespmem:s28+$0xA900] =	vst v10;
	v10 =	vadd.s32 $0x1300, v6  }
0x83: {  	s14 =	simm.s32 $0x70;
	v5 =	vshll.u32 v16, $0x3;
	v18 =	vld.idx.msk [tilespmem:v11+s15+$0x0], $0xffff;
	[tilespmem:s2+$0x6980] =	vst v17;
	v17 =	vor.u32 $0x380, v1  }
0x84: {  	v15 =	vor.u32 $0x100, v4;
	v16 =	vand.u32 $0x7F, v16;
	v5 =	vand.u32 $0xFFFFFC00, v5;
	v11 =	vld [tilespmem:s14+$0x0]  }
0x85: {  	v5 =	vor.u32 v16, v5;
	v13 =	vld.idx.msk [tilespmem:v13+s15+$0x0], $0xffff;
	[tilespmem:s26+$0xA800] =	vst v12  }
0x86: {  	v12 =	vadd.s32 $0x1200, v2;
	[tilespmem:s0+$0xAA80] =	vst v9;
	v7 =	vld.idx.msk [tilespmem:v7+s15+$0x0], $0xffff  }
0x87: {  	v9 =	vor.u32 $0x280, v3;
	v10 =	vld.idx.msk [tilespmem:v10+s15+$0x0], $0xffff;
	[tilespmem:s29+$0x6B00] =	vst v8  }
0x88: {  	s19 =	simm.s32 $0x3;
	[tilespmem:s3+$0x6880] =	vst v14;
	v8 =	vadd.s32 $0x1100, v0;
	v17 =	vld.idx.msk [tilespmem:v17+s15+$0x0], $0xffff  }
0x89: {  	s31 =	sand.u32 $0x7, s19;
	v6 =	vadd.s32 $0x1380, v6;
	v14 =	vld.idx.msk [tilespmem:v15+s15+$0x0], $0xffff;
	[tilespmem:s28+$0xA980] =	vst v18  }
0x8a: {  	s8 =	sshll.u32 s31, $0x4;
	v16 =	vor.u32 $0x180, v4;
	v15 =	vld.idx.msk [tilespmem:v5+s15+$0x0], $0xffff;
	[tilespmem:s2+$0x6A00] =	vst v13  }
0x8b: {  	v19 =	vadd.s32 $0x1000, v1;
	s8 =	sadd.s32 $0x180, s8;
	v18 =	vld.idx.msk [tilespmem:v12+s15+$0x0], $0xffff;
	[tilespmem:s26+$0xA880] =	vst v7  }
0x8c: {  	s18 =	sor.u32 $0x380, s8;
	v13 =	vld.idx.msk [tilespmem:v9+s15+$0x0], $0xffff;
	[tilespmem:s0+$0xAB00] =	vst v10;
	v10 =	vadd.s32 $0x1280, v2  }
0x8d: {  	s22 =	simm.s32 $0x300;
	v9 =	vld.idx.msk [tilespmem:v8+s15+$0x0], $0xffff;
	[tilespmem:s18+$0x6800] =	vst v17;
	v17 =	vor.u32 $0x80, v5  }
0x8e: {  	s13 =	sand.u32 $0x70, s13;
	s21 =	sand.u32 $0x3C00, s22;
	s25 =	smul.u32 $0x60, s24;
	[tilespmem:s3+$0x6900] =	vst v14;
	v14 =	vor.u32 $0x300, v3;
	v12 =	vld.idx.msk [tilespmem:v6+s15+$0x0], $0xffff  }
0x8f: {  	s13 =	sor.u32 s13, s21;
	v8 =	vadd.s32 $0x1180, v0;
	v16 =	vld.idx.msk [tilespmem:v16+s15+$0x0], $0xffff  }
0x90: {  	s21 =	simm.s32 $0x70;
	s8 =	sor.u32 s6, s25;
	s18 =	simm.s32 $0x80;
	v7 =	vld.idx.msk [tilespmem:v19+s15+$0x0], $0xffff;
	[tilespmem:s28+$0xAA00] =	vst v18  }
.LBB2_3:
0x91: {  	p2 =	sne.s32 s18, $0x7F0;
	[tilespmem:s13+$0x6800] =	vst v15;
	v6 =	vor.u32 $0x200, v4;
	v10 =	vld.idx.msk [tilespmem:v10+s15+$0x0], $0xffff  }
0x92: {  	v15 =	vld.idx.msk [tilespmem:v17+s15+$0x0], $0xffff;
	[tilespmem:s2+$0x6A80] =	vst v13;
	v13 =	vadd.s32 $0x1080, v1  }
0x93: {  	v14 =	vld.idx.msk [tilespmem:v14+s15+$0x0], $0xffff;
	[tilespmem:s26+$0xA900] =	vst v9;
	v9 =	vadd.s32 $0x1300, v2  }
0x94: {  	s14 =	sadd.s32 $0x10, s14;
	v17 =	vor.u32 $0x100, v5;
	v8 =	vld.idx.msk [tilespmem:v8+s15+$0x0], $0xffff;
	[tilespmem:s0+$0xAB80] =	vst v12;
	s0 =	smov.u32 s28;
	s28 =	smov.u32 s26  }
0x95: {  	v18 =	vshll.u32 v11, $0x3;
	s26 =	smov.u32 s29;
	s29 =	smov.u32 s2;
	s2 =	smov.u32 s3;
	v12 =	vld [tilespmem:s14+$0x0];
	[tilespmem:s3+$0x6980] =	vst v16;
	v16 =	vor.u32 $0x380, v3  }
0x96: {  	v11 =	vand.u32 $0x7F, v11;
	v18 =	vand.u32 $0xFFFFFC00, v18;
	s3 =	smov.u32 s13;
	v6 =	vld.idx.msk [tilespmem:v6+s15+$0x0], $0xffff;
	[tilespmem:s26+$0xA800] =	vst v7;
	v7 =	vadd.s32 $0x1200, v0  }
0x97: {  	v18 =	vor.u32 v11, v18;
	v19 =	vld.idx.msk [tilespmem:v13+s15+$0x0], $0xffff;
	[tilespmem:s0+$0xAA80] =	vst v10  }
0x98: {  	v10 =	vor.u32 $0x280, v4;
	[tilespmem:s3+$0x6880] =	vst v15;
	v20 =	vld.idx.msk [tilespmem:v9+s15+$0x0], $0xffff  }
0x99: {  	v9 =	vadd.s32 $0x1100, v1;
	v21 =	vld.idx.msk [tilespmem:v17+s15+$0x0], $0xffff;
	[tilespmem:s29+$0x6B00] =	vst v14  }
0x9a: {  	v22 =	vld.idx.msk [tilespmem:v16+s15+$0x0], $0xffff;
	[tilespmem:s28+$0xA980] =	vst v8;
	v8 =	vadd.s32 $0x1380, v2;
	v11 =	vmovc v12;
	v2 =	vmovc v0;
	v0 =	vmov v1;
	v1 =	vmov v3  }
0x9b: {  	s19 =	sadd.s32 $0x1, s19;
	v16 =	vor.u32 $0x180, v5;
	v3 =	vmovc v4;
	v4 =	vmov v5;
	v5 =	vmov v18;
	v23 =	vld.idx.msk [tilespmem:v7+s15+$0x0], $0xffff  }
0x9c: {  	s13 =	sand.u32 $0x7, s19;
	v15 =	vld.idx.msk [tilespmem:v18+s15+$0x0], $0xffff;
	[tilespmem:s2+$0x6A00] =	vst v6;
	v6 =	vadd.s32 $0x1000, v1  }
.Ltmp4:
0x9d: {  	s13 =	sshll.u32 s13, $0x4;
	v13 =	vld.idx.msk [tilespmem:v10+s15+$0x0], $0xffff;
	[tilespmem:s26+$0xA880] =	vst v19;
	v10 =	vadd.s32 $0x1280, v2;
	(pc) =	sbr.rel @p2 .LBB2_3-.Ltmp4, $4  }
0x9e: {  	s13 =	sadd.s32 s13, s30;
	s30 =	smov.u32 s7;
	s7 =	smov.u32 s22;
	v17 =	vor.u32 $0x80, v5;
	v9 =	vld.idx.msk [tilespmem:v9+s15+$0x0], $0xffff;
	[tilespmem:s0+$0xAB00] =	vst v20  }
0x9f: {  	s22 =	sadd.s32 $0x80, s22;
	s13 =	sor.u32 $0x380, s13;
	v14 =	vor.u32 $0x300, v3;
	[tilespmem:s3+$0x6900] =	vst v21;
	v12 =	vld.idx.msk [tilespmem:v8+s15+$0x0], $0xffff  }
0xa0: {  	s23 =	sand.u32 $0x70, s21;
	s21 =	smov.u32 s18;
	s31 =	sand.u32 $0x3C00, s22;
	v8 =	vadd.s32 $0x1180, v0;
	v16 =	vld.idx.msk [tilespmem:v16+s15+$0x0], $0xffff;
	[tilespmem:s13+$0x6800] =	vst v22  }
0xa1: {  	s18 =	sadd.s32 $0x10, s18;
	s13 =	sor.u32 s23, s31;
	v7 =	vld.idx.msk [tilespmem:v6+s15+$0x0], $0xffff;
	[tilespmem:s28+$0xAA00] =	vst v23  }
0xa2: {  	v6 =	vshll.u32 v11, $0x3  }
0xa3: {  	v32 =	vand.u32 $0x7F, v11;
	v6 =	vand.u32 $0xFFFFFC00, v6  }
0xa4: {  	v6 =	vor.u32 v32, v6;
	_ =	sdelay $0x4  }
0xa5: {  	v11 =	vld.idx.msk [tilespmem:v6+s15+$0x0], $0xffff  }
0xa6: {  	v18 =	vor.u32 $0x80, v6  }
0xa7: {  	s18 =	sadd.s32 $0x80, s22  }
0xa8: {  	s14 =	sand.u32 $0x70, s21;
	s9 =	sand.u32 $0x3C00, s18  }
0xa9: {  	[tilespmem:s13+$0x6800] =	vst v15;
	s14 =	sor.u32 s14, s9  }
0xaa: {  	v15 =	vld.idx.msk [tilespmem:v17+s15+$0x0], $0xffff;
	[tilespmem:s14+$0x6800] =	vst v11  }
0xab: {  	v33 =	vor.u32 $0x100, v5;
	v34 =	vld.idx.msk [tilespmem:v18+s15+$0x0], $0xffff  }
0xac: {  	v35 =	vor.u32 $0x100, v6;
	_ =	sdelay $0x2  }
0xad: {  	[tilespmem:s13+$0x6880] =	vst v15  }
0xae: {  	v11 =	vld.idx.msk [tilespmem:v33+s15+$0x0], $0xffff;
	[tilespmem:s14+$0x6880] =	vst v34  }
0xaf: {  	v36 =	vor.u32 $0x180, v5;
	v17 =	vld.idx.msk [tilespmem:v35+s15+$0x0], $0xffff  }
0xb0: {  	v37 =	vor.u32 $0x180, v6;
	_ =	sdelay $0x2  }
0xb1: {  	[tilespmem:s13+$0x6900] =	vst v11  }
0xb2: {  	v38 =	vor.u32 $0x200, v4;
	v15 =	vld.idx.msk [tilespmem:v36+s15+$0x0], $0xffff;
	[tilespmem:s14+$0x6900] =	vst v17  }
0xb3: {  	v39 =	vor.u32 $0x200, v5;
	v18 =	vld.idx.msk [tilespmem:v37+s15+$0x0], $0xffff  }
0xb4: {  	v19 =	vor.u32 $0x200, v6;
	_ =	sdelay $0x1  }
0xb5: {  	[tilespmem:s3+$0x6980] =	vst v16  }
0xb6: {  	v11 =	vld.idx.msk [tilespmem:v38+s15+$0x0], $0xffff;
	[tilespmem:s13+$0x6980] =	vst v15  }
0xb7: {  	v40 =	vor.u32 $0x280, v4;
	v41 =	vld.idx.msk [tilespmem:v39+s15+$0x0], $0xffff;
	[tilespmem:s14+$0x6980] =	vst v18  }
0xb8: {  	v42 =	vor.u32 $0x280, v5;
	v18 =	vld.idx.msk [tilespmem:v19+s15+$0x0], $0xffff  }
0xb9: {  	v43 =	vor.u32 $0x280, v6;
	_ =	sdelay $0x1  }
0xba: {  	[tilespmem:s3+$0x6A00] =	vst v11  }
0xbb: {  	v11 =	vld.idx.msk [tilespmem:v40+s15+$0x0], $0xffff;
	[tilespmem:s13+$0x6A00] =	vst v41  }
0xbc: {  	v44 =	vor.u32 $0x300, v4;
	v16 =	vld.idx.msk [tilespmem:v42+s15+$0x0], $0xffff;
	[tilespmem:s14+$0x6A00] =	vst v18  }
0xbd: {  	v45 =	vor.u32 $0x300, v5;
	v18 =	vld.idx.msk [tilespmem:v43+s15+$0x0], $0xffff  }
0xbe: {  	v46 =	vor.u32 $0x300, v6  }
0xbf: {  	[tilespmem:s2+$0x6A80] =	vst v13  }
0xc0: {  	v13 =	vld.idx.msk [tilespmem:v14+s15+$0x0], $0xffff;
	[tilespmem:s3+$0x6A80] =	vst v11  }
0xc1: {  	v47 =	vor.u32 $0x380, v3;
	v48 =	vld.idx.msk [tilespmem:v44+s15+$0x0], $0xffff;
	[tilespmem:s13+$0x6A80] =	vst v16  }
0xc2: {  	v49 =	vor.u32 $0x380, v4;
	v16 =	vld.idx.msk [tilespmem:v45+s15+$0x0], $0xffff;
	[tilespmem:s14+$0x6A80] =	vst v18  }
0xc3: {  	v50 =	vor.u32 $0x380, v5;
	v18 =	vld.idx.msk [tilespmem:v46+s15+$0x0], $0xffff  }
0xc4: {  	v51 =	vor.u32 $0x380, v6  }
0xc5: {  	s19 =	sadd.s32 $0x1, s19;
	[tilespmem:s2+$0x6B00] =	vst v13  }
0xc6: {  	s23 =	sand.u32 $0x7, s19;
	s19 =	sadd.s32 $0x1, s19;
	v11 =	vld.idx.msk [tilespmem:v47+s15+$0x0], $0xffff;
	[tilespmem:s3+$0x6B00] =	vst v48  }
0xc7: {  	v52 =	vadd.s32 $0x1000, v3;
	s21 =	sshll.u32 s23, $0x4;
	s23 =	sand.u32 $0x7, s19;
	v14 =	vld.idx.msk [tilespmem:v49+s15+$0x0], $0xffff;
	[tilespmem:s13+$0x6B00] =	vst v16  }
0xc8: {  	v53 =	vadd.s32 $0x1000, v4;
	s19 =	sadd.s32 $0x1, s19;
	s21 =	sadd.s32 s21, s30;
	s23 =	sshll.u32 s23, $0x4;
	v16 =	vld.idx.msk [tilespmem:v50+s15+$0x0], $0xffff;
	[tilespmem:s14+$0x6B00] =	vst v18  }
0xc9: {  	v54 =	vadd.s32 $0x1000, v5;
	[tilespmem:s26+$0xA900] =	vst v9;
	s9 =	sand.u32 $0x7, s19;
	s19 =	sadd.s32 $0x1, s19;
	s31 =	sadd.s32 s23, s7;
	v55 =	vld.idx.msk [tilespmem:v51+s15+$0x0], $0xffff  }
0xca: {  	[tilespmem:s0+$0xAB80] =	vst v12;
	v56 =	vadd.s32 $0x1000, v6;
	s21 =	sor.u32 $0x380, s21;
	s7 =	sshll.u32 s9, $0x4;
	s19 =	sand.u32 $0x7, s19  }
0xcb: {  	v10 =	vld.idx.msk [tilespmem:v10+s15+$0x0], $0xffff;
	s0 =	sor.u32 $0x380, s31;
	s7 =	sadd.s32 s7, s22;
	s19 =	sshll.u32 s19, $0x4;
	[tilespmem:s21+$0x6800] =	vst v11  }
0xcc: {  	v57 =	vadd.s32 $0x1080, v1;
	s22 =	sadd.s32 s19, s18;
	s21 =	sor.u32 $0x380, s7;
	v13 =	vld.idx.msk [tilespmem:v52+s15+$0x0], $0xffff;
	[tilespmem:s0+$0x6800] =	vst v14  }
0xcd: {  	v58 =	vadd.s32 $0x1080, v3;
	s23 =	sor.u32 $0x380, s22;
	v15 =	vld.idx.msk [tilespmem:v53+s15+$0x0], $0xffff;
	[tilespmem:s21+$0x6800] =	vst v16  }
0xce: {  	v59 =	vadd.s32 $0x1080, v4;
	v12 =	vld.idx.msk [tilespmem:v54+s15+$0x0], $0xffff;
	[tilespmem:s23+$0x6800] =	vst v55  }
0xcf: {  	v60 =	vadd.s32 $0x1080, v5;
	[tilespmem:s29+$0xA800] =	vst v7;
	v9 =	vld.idx.msk [tilespmem:v56+s15+$0x0], $0xffff  }
0xd0: {  	v8 =	vld.idx.msk [tilespmem:v8+s15+$0x0], $0xffff;
	v61 =	vadd.s32 $0x1080, v6;
	[tilespmem:s28+$0xAA80] =	vst v10  }
0xd1: {  	v62 =	vadd.s32 $0x1300, v2;
	v11 =	vld.idx.msk [tilespmem:v57+s15+$0x0], $0xffff;
	[tilespmem:s2+$0xA800] =	vst v13  }
0xd2: {  	v63 =	vadd.s32 $0x1100, v1;
	v14 =	vld.idx.msk [tilespmem:v58+s15+$0x0], $0xffff;
	[tilespmem:s3+$0xA800] =	vst v15  }
0xd3: {  	v20 =	vadd.s32 $0x1100, v3;
	v16 =	vld.idx.msk [tilespmem:v59+s15+$0x0], $0xffff;
	[tilespmem:s13+$0xA800] =	vst v12  }
0xd4: {  	v21 =	vadd.s32 $0x1100, v4;
	v7 =	vld.idx.msk [tilespmem:v60+s15+$0x0], $0xffff;
	[tilespmem:s14+$0xA800] =	vst v9  }
0xd5: {  	v22 =	vadd.s32 $0x1100, v5;
	[tilespmem:s26+$0xA980] =	vst v8;
	v9 =	vld.idx.msk [tilespmem:v61+s15+$0x0], $0xffff  }
0xd6: {  	v24 =	vadd.s32 $0x1100, v6;
	v23 =	vld.idx.msk [tilespmem:v62+s15+$0x0], $0xffff;
	[tilespmem:s29+$0xA880] =	vst v11  }
0xd7: {  	v25 =	vadd.s32 $0x1200, v0;
	v13 =	vld.idx.msk [tilespmem:v63+s15+$0x0], $0xffff;
	[tilespmem:s2+$0xA880] =	vst v14  }
0xd8: {  	v26 =	vadd.s32 $0x1180, v1;
	v15 =	vld.idx.msk [tilespmem:v20+s15+$0x0], $0xffff;
	[tilespmem:s3+$0xA880] =	vst v16  }
0xd9: {  	v27 =	vadd.s32 $0x1180, v3;
	v12 =	vld.idx.msk [tilespmem:v21+s15+$0x0], $0xffff;
	[tilespmem:s13+$0xA880] =	vst v7  }
0xda: {  	v28 =	vadd.s32 $0x1180, v4;
	v8 =	vld.idx.msk [tilespmem:v22+s15+$0x0], $0xffff;
	[tilespmem:s14+$0xA880] =	vst v9  }
0xdb: {  	v29 =	vadd.s32 $0x1180, v5;
	[tilespmem:s28+$0xAB00] =	vst v23;
	v30 =	vld.idx.msk [tilespmem:v24+s15+$0x0], $0xffff  }
0xdc: {  	v32 =	vadd.s32 $0x1180, v6;
	v31 =	vld.idx.msk [tilespmem:v25+s15+$0x0], $0xffff;
	[tilespmem:s29+$0xA900] =	vst v13  }
0xdd: {  	v33 =	vadd.s32 $0x1380, v2;
	v14 =	vld.idx.msk [tilespmem:v26+s15+$0x0], $0xffff;
	[tilespmem:s2+$0xA900] =	vst v15  }
0xde: {  	v34 =	vadd.s32 $0x1200, v1;
	v16 =	vld.idx.msk [tilespmem:v27+s15+$0x0], $0xffff;
	[tilespmem:s3+$0xA900] =	vst v12  }
0xdf: {  	v35 =	vadd.s32 $0x1200, v3;
	v7 =	vld.idx.msk [tilespmem:v28+s15+$0x0], $0xffff;
	[tilespmem:s13+$0xA900] =	vst v8  }
0xe0: {  	v36 =	vadd.s32 $0x1200, v4;
	v9 =	vld.idx.msk [tilespmem:v29+s15+$0x0], $0xffff;
	[tilespmem:s14+$0xA900] =	vst v30  }
0xe1: {  	[tilespmem:s26+$0xAA00] =	vst v31;
	v37 =	vadd.s32 $0x1200, v5;
	v38 =	vld.idx.msk [tilespmem:v32+s15+$0x0], $0xffff  }
0xe2: {  	v2 =	vld.idx.msk [tilespmem:v33+s15+$0x0], $0xffff;
	v39 =	vadd.s32 $0x1200, v6;
	[tilespmem:s29+$0xA980] =	vst v14  }
0xe3: {  	v40 =	vadd.s32 $0x1280, v0;
	v15 =	vld.idx.msk [tilespmem:v34+s15+$0x0], $0xffff;
	[tilespmem:s2+$0xA980] =	vst v16  }
0xe4: {  	v41 =	vadd.s32 $0x1280, v1;
	v12 =	vld.idx.msk [tilespmem:v35+s15+$0x0], $0xffff;
	[tilespmem:s3+$0xA980] =	vst v7  }
0xe5: {  	v42 =	vadd.s32 $0x1280, v3;
	v8 =	vld.idx.msk [tilespmem:v36+s15+$0x0], $0xffff;
	[tilespmem:s13+$0xA980] =	vst v9  }
0xe6: {  	v43 =	vadd.s32 $0x1280, v4;
	v10 =	vld.idx.msk [tilespmem:v37+s15+$0x0], $0xffff;
	[tilespmem:s14+$0xA980] =	vst v38  }
0xe7: {  	[tilespmem:s28+$0xAB80] =	vst v2;
	v44 =	vadd.s32 $0x1280, v5;
	v11 =	vld.idx.msk [tilespmem:v39+s15+$0x0], $0xffff  }
0xe8: {  	v45 =	vld.idx.msk [tilespmem:v40+s15+$0x0], $0xffff;
	v46 =	vadd.s32 $0x1280, v6;
	[tilespmem:s29+$0xAA00] =	vst v15  }
0xe9: {  	v47 =	vadd.s32 $0x1300, v0;
	v16 =	vld.idx.msk [tilespmem:v41+s15+$0x0], $0xffff;
	[tilespmem:s2+$0xAA00] =	vst v12  }
0xea: {  	v48 =	vadd.s32 $0x1300, v1;
	v7 =	vld.idx.msk [tilespmem:v42+s15+$0x0], $0xffff;
	[tilespmem:s3+$0xAA00] =	vst v8  }
0xeb: {  	v49 =	vadd.s32 $0x1300, v3;
	v9 =	vld.idx.msk [tilespmem:v43+s15+$0x0], $0xffff;
	[tilespmem:s13+$0xAA00] =	vst v10  }
0xec: {  	v50 =	vadd.s32 $0x1300, v4;
	v2 =	vld.idx.msk [tilespmem:v44+s15+$0x0], $0xffff;
	[tilespmem:s14+$0xAA00] =	vst v11  }
0xed: {  	[tilespmem:s26+$0xAA80] =	vst v45;
	v51 =	vadd.s32 $0x1300, v5;
	v52 =	vld.idx.msk [tilespmem:v46+s15+$0x0], $0xffff  }
0xee: {  	v53 =	vld.idx.msk [tilespmem:v47+s15+$0x0], $0xffff;
	v54 =	vadd.s32 $0x1300, v6;
	[tilespmem:s29+$0xAA80] =	vst v16  }
0xef: {  	v55 =	vadd.s32 $0x1380, v0;
	v12 =	vld.idx.msk [tilespmem:v48+s15+$0x0], $0xffff;
	[tilespmem:s2+$0xAA80] =	vst v7  }
0xf0: {  	v56 =	vadd.s32 $0x1380, v1;
	v7 =	vld.idx.msk [tilespmem:v49+s15+$0x0], $0xffff;
	[tilespmem:s3+$0xAA80] =	vst v9  }
0xf1: {  	v57 =	vadd.s32 $0x1380, v3;
	v58 =	vld.idx.msk [tilespmem:v50+s15+$0x0], $0xffff;
	[tilespmem:s13+$0xAA80] =	vst v2  }
0xf2: {  	v59 =	vadd.s32 $0x1380, v4;
	v60 =	vld.idx.msk [tilespmem:v51+s15+$0x0], $0xffff;
	[tilespmem:s14+$0xAA80] =	vst v52  }
0xf3: {  	[tilespmem:s26+$0xAB00] =	vst v53;
	v61 =	vadd.s32 $0x1380, v5;
	v62 =	vld.idx.msk [tilespmem:v54+s15+$0x0], $0xffff  }
0xf4: {  	v6 =	vadd.s32 $0x1380, v6;
	v0 =	vld.idx.msk [tilespmem:v55+s15+$0x0], $0xffff;
	[tilespmem:s29+$0xAB00] =	vst v12  }
0xf5: {  	v1 =	vld.idx.msk [tilespmem:v56+s15+$0x0], $0xffff;
	[tilespmem:s2+$0xAB00] =	vst v7  }
0xf6: {  	v3 =	vld.idx.msk [tilespmem:v57+s15+$0x0], $0xffff;
	[tilespmem:s3+$0xAB00] =	vst v58  }
0xf7: {  	v2 =	vld.idx.msk [tilespmem:v59+s15+$0x0], $0xffff;
	[tilespmem:s13+$0xAB00] =	vst v60  }
0xf8: {  	v4 =	vld.idx.msk [tilespmem:v61+s15+$0x0], $0xffff;
	[tilespmem:s14+$0xAB00] =	vst v62  }
0xf9: {  	[tilespmem:s26+$0xAB80] =	vst v0;
	v63 =	vld.idx.msk [tilespmem:v6+s15+$0x0], $0xffff  }
0xfa: {  	[tilespmem:s29+$0xAB80] =	vst v1  }
0xfb: {  	[tilespmem:s2+$0xAB80] =	vst v3  }
0xfc: {  	[tilespmem:s3+$0xAB80] =	vst v2  }
0xfd: {  	s26 =	sshll.u32 s8, $0xC;
	[tilespmem:s13+$0xAB80] =	vst v4  }
0xfe: {  	s30 =	simm.s32 $0x6800;
	s0 =	sadd.s32 s4, s26;
	[tilespmem:s14+$0xAB80] =	vst v63  }
0xff: {  	[hbm4b:s0+s5] =	stream.linear.scatter [tilespmem:s30], [sflag:$0x4], $0x8000, $0x38;
	[tilespmem:$0x1E800] =	vst v63  }
0x100: {  	s31 =	rddreg [dreg:$0x6]  }
0x101: {  	s26 =	sadd.s32 s31, s25  }
0x102: {  	s29 =	sadd.s32 s10, s25;
	p2 =	sgt.u32 s26, $0xC34  }
0x103: {  	p3 =	sgt.u32 s29, $0xC34;
	s0 =	sshll.u32 @!p2 s26, $0xA  }
0x104: {  	s2 =	simm.s32 @!p2 $0x0;
	s3 =	simm.s32 @!p2 $0x4800;
	s0 =	sadd.s32 @!p2 s1, s0  }
0x105: {  	[tilespmem:s3], [sflag:$0x3] =	stream.linear.gather @!p2 [hbm4b:s0+s2], $0x2000, $0x38;
	[tilespmem:$0x1E800] =	vst v63  }
0x106: {  	s0 =	simm.s32 @!p3 $0x2  }
0x107: {  	_ =	swait.ge @!p3 [sflag:s0], $0x2000  }
.Ltmp5:
0x108: {  	[sflag:s0] =	ssyncset.done @!p3 $0x0;
	(pc) =	sbr.rel @p3 .LBB2_8-.Ltmp5, $4  }
0x109: {  	[sflag:s0] =	ssyncadd.s32 @!p3 $0xFFFFE000;
	s0 =	simm.s32 @!p1 $0x5  }
0x10a: {  	_ =	swait.ge @!p1 [sflag:s0], $0x8000  }
0x10b: {  	[sflag:s0] =	ssyncset.done @!p1 $0x0  }
0x10c: {  	s28 =	simm.s32 $0x0;
	[sflag:s0] =	ssyncadd.s32 @!p1 $0xFFFF8000  }
0x10d: {  	v0 =	vld [tilespmem:s28+$0x0];
	_ =	sdelay $0x4  }
0x10e: {  	v1 =	vshll.u32 v0, $0x3  }
0x10f: {  	v0 =	vand.u32 $0x7F, v0;
	v1 =	vand.u32 $0xFFFFFC00, v1  }
0x110: {  	v6 =	vor.u32 v0, v1;
	_ =	sdelay $0x4  }
0x111: {  	v0 =	vld.idx.msk [tilespmem:v6+s16+$0x0], $0xffff  }
0x112: {  	v1 =	vor.u32 $0x80, v6  }
0x113: {  	s0 =	simm.s32 $0x10  }
0x114: {  	s2 =	sand.u32 $0x70, s28;
	s3 =	sand.u32 $0x3C00, s28;
	v2 =	vld [tilespmem:s0+$0x0]  }
0x115: {  	s3 =	sor.u32 s2, s3  }
0x116: {  	[tilespmem:s3+$0xE800] =	vst v0  }
0x117: {  	v0 =	vld.idx.msk [tilespmem:v1+s16+$0x0], $0xffff  }
0x118: {  	v1 =	vor.u32 $0x100, v6  }
0x119: {  	v3 =	vshll.u32 v2, $0x3  }
0x11a: {  	v2 =	vand.u32 $0x7F, v2;
	v3 =	vand.u32 $0xFFFFFC00, v3  }
0x11b: {  	v2 =	vor.u32 v2, v3  }
0x11c: {  	[tilespmem:s3+$0xE880] =	vst v0  }
0x11d: {  	v0 =	vld.idx.msk [tilespmem:v1+s16+$0x0], $0xffff  }
0x11e: {  	v1 =	vor.u32 $0x180, v6;
	_ =	sdelay $0x1  }
0x11f: {  	v3 =	vld.idx.msk [tilespmem:v2+s16+$0x0], $0xffff  }
0x120: {  	s23 =	simm.s32 $0x20;
	v4 =	vor.u32 $0x80, v2  }
0x121: {  	s7 =	simm.s32 $0x80;
	v5 =	vld [tilespmem:s23+$0x0];
	[tilespmem:s3+$0xE900] =	vst v0  }
0x122: {  	s0 =	sand.u32 $0x70, s0;
	s7 =	sand.u32 $0x3C00, s7;
	v0 =	vld.idx.msk [tilespmem:v1+s16+$0x0], $0xffff  }
0x123: {  	s31 =	sor.u32 s0, s7;
	v1 =	vor.u32 $0x200, v6  }
0x124: {  	[tilespmem:s31+$0xE800] =	vst v3  }
0x125: {  	v3 =	vld.idx.msk [tilespmem:v4+s16+$0x0], $0xffff  }
0x126: {  	v7 =	vshll.u32 v5, $0x3;
	v4 =	vor.u32 $0x100, v2  }
0x127: {  	[tilespmem:s3+$0xE980] =	vst v0;
	v0 =	vand.u32 $0x7F, v5;
	v5 =	vand.u32 $0xFFFFFC00, v7  }
0x128: {  	v1 =	vld.idx.msk [tilespmem:v1+s16+$0x0], $0xffff;
	v0 =	vor.u32 v0, v5  }
0x129: {  	v5 =	vor.u32 $0x280, v6  }
0x12a: {  	[tilespmem:s31+$0xE880] =	vst v3  }
0x12b: {  	v3 =	vld.idx.msk [tilespmem:v4+s16+$0x0], $0xffff  }
0x12c: {  	v4 =	vor.u32 $0x180, v2  }
0x12d: {  	v7 =	vld.idx.msk [tilespmem:v0+s16+$0x0], $0xffff;
	[tilespmem:s3+$0xEA00] =	vst v1  }
0x12e: {  	v1 =	vld.idx.msk [tilespmem:v5+s16+$0x0], $0xffff;
	v5 =	vor.u32 $0x80, v0  }
0x12f: {  	s4 =	simm.s32 $0x30;
	s9 =	simm.s32 $0x100;
	v8 =	vor.u32 $0x300, v6  }
0x130: {  	v9 =	vld [tilespmem:s4+$0x0];
	s2 =	sand.u32 $0x70, s23;
	s7 =	sand.u32 $0x3C00, s9;
	[tilespmem:s31+$0xE900] =	vst v3  }
0x131: {  	s30 =	sor.u32 s2, s7;
	v3 =	vld.idx.msk [tilespmem:v4+s16+$0x0], $0xffff  }
0x132: {  	v4 =	vor.u32 $0x200, v2;
	[tilespmem:s30+$0xE800] =	vst v7  }
0x133: {  	v5 =	vld.idx.msk [tilespmem:v5+s16+$0x0], $0xffff;
	[tilespmem:s3+$0xEA80] =	vst v1  }
0x134: {  	v7 =	vld.idx.msk [tilespmem:v8+s16+$0x0], $0xffff;
	v8 =	vor.u32 $0x100, v0  }
0x135: {  	v10 =	vor.u32 $0x380, v6;
	v1 =	vshll.u32 v9, $0x3  }
0x136: {  	[tilespmem:s31+$0xE980] =	vst v3;
	v3 =	vand.u32 $0x7F, v9;
	v1 =	vand.u32 $0xFFFFFC00, v1  }
0x137: {  	v4 =	vld.idx.msk [tilespmem:v4+s16+$0x0], $0xffff;
	v1 =	vor.u32 v3, v1  }
0x138: {  	v3 =	vor.u32 $0x280, v2;
	[tilespmem:s30+$0xE880] =	vst v5  }
0x139: {  	v5 =	vld.idx.msk [tilespmem:v8+s16+$0x0], $0xffff;
	[tilespmem:s3+$0xEB00] =	vst v7  }
0x13a: {  	v8 =	vor.u32 $0x180, v0;
	v7 =	vld.idx.msk [tilespmem:v10+s16+$0x0], $0xffff  }
0x13b: {  	s13 =	sand.u32 $0x7, s28;
	v9 =	vadd.s32 $0x1000, v6  }
0x13c: {  	s2 =	sshll.u32 s13, $0x4;
	[tilespmem:s31+$0xEA00] =	vst v4;
	v10 =	vld.idx.msk [tilespmem:v1+s16+$0x0], $0xffff  }
0x13d: {  	s14 =	simm.s32 $0x40;
	s2 =	sadd.s32 $0x0, s2;
	v4 =	vor.u32 $0x80, v1;
	v3 =	vld.idx.msk [tilespmem:v3+s16+$0x0], $0xffff  }
0x13e: {  	s8 =	simm.s32 $0x180;
	v11 =	vld [tilespmem:s14+$0x0];
	s2 =	sor.u32 $0x380, s2;
	[tilespmem:s30+$0xE900] =	vst v5;
	v5 =	vor.u32 $0x300, v2  }
0x13f: {  	s8 =	sand.u32 $0x3C00, s8;
	s0 =	sand.u32 $0x70, s4;
	v8 =	vld.idx.msk [tilespmem:v8+s16+$0x0], $0xffff;
	[tilespmem:s2+$0xE800] =	vst v7  }
0x140: {  	s2 =	sor.u32 s0, s8;
	v7 =	vld.idx.msk [tilespmem:v9+s16+$0x0], $0xffff;
	v9 =	vor.u32 $0x200, v0  }
0x141: {  	[tilespmem:s2+$0xE800] =	vst v10;
	v10 =	vadd.s32 $0x1080, v6  }
0x142: {  	[tilespmem:s31+$0xEA80] =	vst v3;
	v4 =	vld.idx.msk [tilespmem:v4+s16+$0x0], $0xffff  }
0x143: {  	v12 =	vor.u32 $0x100, v1;
	v3 =	vshll.u32 v11, $0x3;
	v5 =	vld.idx.msk [tilespmem:v5+s16+$0x0], $0xffff  }
0x144: {  	v11 =	vand.u32 $0x7F, v11;
	v3 =	vand.u32 $0xFFFFFC00, v3;
	[tilespmem:s30+$0xE980] =	vst v8;
	v8 =	vor.u32 $0x380, v2  }
0x145: {  	v3 =	vor.u32 v11, v3;
	v9 =	vld.idx.msk [tilespmem:v9+s16+$0x0], $0xffff;
	[tilespmem:s3+$0x12800] =	vst v7  }
0x146: {  	v7 =	vld.idx.msk [tilespmem:v10+s16+$0x0], $0xffff;
	v10 =	vor.u32 $0x280, v0  }
0x147: {  	[tilespmem:s2+$0xE880] =	vst v4;
	v4 =	vadd.s32 $0x1100, v6  }
0x148: {  	v11 =	vld.idx.msk [tilespmem:v12+s16+$0x0], $0xffff;
	[tilespmem:s31+$0xEB00] =	vst v5  }
0x149: {  	s18 =	simm.s32 $0x1;
	v5 =	vld.idx.msk [tilespmem:v8+s16+$0x0], $0xffff;
	v8 =	vor.u32 $0x180, v1  }
0x14a: {  	s0 =	sand.u32 $0x7, s18;
	v12 =	vld.idx.msk [tilespmem:v3+s16+$0x0], $0xffff;
	[tilespmem:s30+$0xEA00] =	vst v9;
	v9 =	vadd.s32 $0x1000, v2  }
0x14b: {  	s0 =	sshll.u32 s0, $0x4;
	v10 =	vld.idx.msk [tilespmem:v10+s16+$0x0], $0xffff;
	[tilespmem:s3+$0x12880] =	vst v7;
	v7 =	vor.u32 $0x80, v3  }
0x14c: {  	s19 =	simm.s32 $0x50;
	s13 =	simm.s32 $0x200;
	v13 =	vor.u32 $0x300, v0;
	s0 =	sadd.s32 $0x80, s0;
	v4 =	vld.idx.msk [tilespmem:v4+s16+$0x0], $0xffff  }
0x14d: {  	v14 =	vld [tilespmem:s19+$0x0];
	s7 =	sand.u32 $0x70, s14;
	s14 =	sand.u32 $0x3C00, s13;
	s0 =	sor.u32 $0x380, s0;
	[tilespmem:s2+$0xE900] =	vst v11;
	v11 =	vadd.s32 $0x1180, v6  }
0x14e: {  	v8 =	vld.idx.msk [tilespmem:v8+s16+$0x0], $0xffff;
	[tilespmem:s0+$0xE800] =	vst v5;
	s0 =	sor.u32 s7, s14  }
0x14f: {  	v5 =	vld.idx.msk [tilespmem:v9+s16+$0x0], $0xffff;
	[tilespmem:s0+$0xE800] =	vst v12;
	v9 =	vor.u32 $0x200, v1  }
0x150: {  	v7 =	vld.idx.msk [tilespmem:v7+s16+$0x0], $0xffff;
	[tilespmem:s30+$0xEA80] =	vst v10;
	v10 =	vadd.s32 $0x1080, v2  }
0x151: {  	v12 =	vld.idx.msk [tilespmem:v13+s16+$0x0], $0xffff;
	[tilespmem:s3+$0x12900] =	vst v4;
	v13 =	vor.u32 $0x100, v3  }
0x152: {  	s21 =	simm.s32 $0x60;
	v15 =	vor.u32 $0x380, v0;
	v4 =	vshll.u32 v14, $0x3;
	v11 =	vld.idx.msk [tilespmem:v11+s16+$0x0], $0xffff  }
0x153: {  	v16 =	vld [tilespmem:s21+$0x0];
	v4 =	vand.u32 $0xFFFFFC00, v4;
	[tilespmem:s2+$0xE980] =	vst v8;
	v8 =	vand.u32 $0x7F, v14;
	v14 =	vadd.s32 $0x1200, v6  }
0x154: {  	v9 =	vld.idx.msk [tilespmem:v9+s16+$0x0], $0xffff;
	[tilespmem:s31+$0x12800] =	vst v5;
	v4 =	vor.u32 v8, v4  }
0x155: {  	v5 =	vld.idx.msk [tilespmem:v10+s16+$0x0], $0xffff;
	[tilespmem:s0+$0xE880] =	vst v7;
	v7 =	vor.u32 $0x280, v1  }
0x156: {  	v10 =	vadd.s32 $0x1100, v2;
	v8 =	vld.idx.msk [tilespmem:v13+s16+$0x0], $0xffff;
	[tilespmem:s30+$0xEB00] =	vst v12  }
0x157: {  	s22 =	simm.s32 $0x2;
	v12 =	vld.idx.msk [tilespmem:v15+s16+$0x0], $0xffff;
	[tilespmem:s3+$0x12980] =	vst v11;
	v11 =	vor.u32 $0x180, v3  }
0x158: {  	s14 =	sand.u32 $0x7, s22;
	v13 =	vld.idx.msk [tilespmem:v14+s16+$0x0], $0xffff;
	v14 =	vadd.s32 $0x1000, v0  }
0x159: {  	s14 =	sshll.u32 s14, $0x4;
	v15 =	vld.idx.msk [tilespmem:v4+s16+$0x0], $0xffff;
	[tilespmem:s2+$0xEA00] =	vst v9;
	v9 =	vadd.s32 $0x1280, v6  }
0x15a: {  	s18 =	sadd.s32 $0x100, s14;
	v7 =	vld.idx.msk [tilespmem:v7+s16+$0x0], $0xffff;
	[tilespmem:s31+$0x12880] =	vst v5;
	v5 =	vor.u32 $0x80, v4  }
0x15b: {  	s14 =	simm.s32 $0x280;
	s18 =	sor.u32 $0x380, s18;
	v10 =	vld.idx.msk [tilespmem:v10+s16+$0x0], $0xffff;
	[tilespmem:s0+$0xE900] =	vst v8;
	v8 =	vor.u32 $0x300, v1  }
0x15c: {  	s8 =	sand.u32 $0x70, s19;
	s19 =	sand.u32 $0x3C00, s14;
	v17 =	vld.idx.msk [tilespmem:v11+s16+$0x0], $0xffff;
	[tilespmem:s18+$0xE800] =	vst v12;
	v11 =	vadd.s32 $0x1180, v2  }
0x15d: {  	s8 =	sor.u32 s8, s19;
	v12 =	vld.idx.msk [tilespmem:v14+s16+$0x0], $0xffff;
	[tilespmem:s3+$0x12A00] =	vst v13  }
0x15e: {  	v13 =	vor.u32 $0x200, v3;
	[tilespmem:s8+$0xE800] =	vst v15;
	v9 =	vld.idx.msk [tilespmem:v9+s16+$0x0], $0xffff  }
0x15f: {  	v14 =	vld.idx.msk [tilespmem:v5+s16+$0x0], $0xffff;
	[tilespmem:s2+$0xEA80] =	vst v7;
	v7 =	vadd.s32 $0x1080, v0  }
0x160: {  	v8 =	vld.idx.msk [tilespmem:v8+s16+$0x0], $0xffff;
	[tilespmem:s31+$0x12900] =	vst v10;
	v10 =	vadd.s32 $0x1300, v6  }
0x161: {  	s22 =	simm.s32 $0x70;
	v5 =	vshll.u32 v16, $0x3;
	v18 =	vld.idx.msk [tilespmem:v11+s16+$0x0], $0xffff;
	[tilespmem:s0+$0xE980] =	vst v17;
	v17 =	vor.u32 $0x380, v1  }
0x162: {  	v15 =	vor.u32 $0x100, v4;
	v16 =	vand.u32 $0x7F, v16;
	v5 =	vand.u32 $0xFFFFFC00, v5;
	v11 =	vld [tilespmem:s22+$0x0]  }
0x163: {  	v5 =	vor.u32 v16, v5;
	v13 =	vld.idx.msk [tilespmem:v13+s16+$0x0], $0xffff;
	[tilespmem:s30+$0x12800] =	vst v12  }
0x164: {  	v12 =	vadd.s32 $0x1200, v2;
	[tilespmem:s3+$0x12A80] =	vst v9;
	v7 =	vld.idx.msk [tilespmem:v7+s16+$0x0], $0xffff  }
0x165: {  	v9 =	vor.u32 $0x280, v3;
	v10 =	vld.idx.msk [tilespmem:v10+s16+$0x0], $0xffff;
	[tilespmem:s2+$0xEB00] =	vst v8  }
0x166: {  	s19 =	simm.s32 $0x3;
	[tilespmem:s8+$0xE880] =	vst v14;
	v8 =	vadd.s32 $0x1100, v0;
	v17 =	vld.idx.msk [tilespmem:v17+s16+$0x0], $0xffff  }
0x167: {  	s23 =	sand.u32 $0x7, s19;
	v6 =	vadd.s32 $0x1380, v6;
	v14 =	vld.idx.msk [tilespmem:v15+s16+$0x0], $0xffff;
	[tilespmem:s31+$0x12980] =	vst v18  }
0x168: {  	s18 =	sshll.u32 s23, $0x4;
	v16 =	vor.u32 $0x180, v4;
	v15 =	vld.idx.msk [tilespmem:v5+s16+$0x0], $0xffff;
	[tilespmem:s0+$0xEA00] =	vst v13  }
0x169: {  	v19 =	vadd.s32 $0x1000, v1;
	s18 =	sadd.s32 $0x180, s18;
	v18 =	vld.idx.msk [tilespmem:v12+s16+$0x0], $0xffff;
	[tilespmem:s30+$0x12880] =	vst v7  }
0x16a: {  	s18 =	sor.u32 $0x380, s18;
	v13 =	vld.idx.msk [tilespmem:v9+s16+$0x0], $0xffff;
	[tilespmem:s3+$0x12B00] =	vst v10;
	v10 =	vadd.s32 $0x1280, v2  }
0x16b: {  	v9 =	vld.idx.msk [tilespmem:v8+s16+$0x0], $0xffff;
	[tilespmem:s18+$0xE800] =	vst v17;
	v17 =	vor.u32 $0x80, v5  }
0x16c: {  	s23 =	simm.s32 $0x300;
	[tilespmem:s8+$0xE900] =	vst v14;
	v14 =	vor.u32 $0x300, v3;
	v12 =	vld.idx.msk [tilespmem:v6+s16+$0x0], $0xffff  }
0x16d: {  	s7 =	sand.u32 $0x70, s21;
	s21 =	sand.u32 $0x3C00, s23;
	v8 =	vadd.s32 $0x1180, v0;
	v16 =	vld.idx.msk [tilespmem:v16+s16+$0x0], $0xffff  }
0x16e: {  	s7 =	sor.u32 s7, s21;
	s21 =	simm.s32 $0x70;
	s18 =	simm.s32 $0x80;
	v7 =	vld.idx.msk [tilespmem:v19+s16+$0x0], $0xffff;
	[tilespmem:s31+$0x12A00] =	vst v18  }
.LBB2_6:
0x16f: {  	p3 =	sne.s32 s18, $0x7F0;
	[tilespmem:s7+$0xE800] =	vst v15;
	v6 =	vor.u32 $0x200, v4;
	v10 =	vld.idx.msk [tilespmem:v10+s16+$0x0], $0xffff  }
0x170: {  	v15 =	vld.idx.msk [tilespmem:v17+s16+$0x0], $0xffff;
	[tilespmem:s0+$0xEA80] =	vst v13;
	v13 =	vadd.s32 $0x1080, v1  }
0x171: {  	v14 =	vld.idx.msk [tilespmem:v14+s16+$0x0], $0xffff;
	[tilespmem:s30+$0x12900] =	vst v9;
	v9 =	vadd.s32 $0x1300, v2  }
0x172: {  	s22 =	sadd.s32 $0x10, s22;
	v17 =	vor.u32 $0x100, v5;
	v8 =	vld.idx.msk [tilespmem:v8+s16+$0x0], $0xffff;
	[tilespmem:s3+$0x12B80] =	vst v12;
	s3 =	smov.u32 s31;
	s31 =	smov.u32 s30  }
0x173: {  	v18 =	vshll.u32 v11, $0x3;
	s30 =	smov.u32 s2;
	s2 =	smov.u32 s0;
	s0 =	smov.u32 s8;
	v12 =	vld [tilespmem:s22+$0x0];
	[tilespmem:s8+$0xE980] =	vst v16;
	v16 =	vor.u32 $0x380, v3  }
0x174: {  	v11 =	vand.u32 $0x7F, v11;
	v18 =	vand.u32 $0xFFFFFC00, v18;
	s8 =	smov.u32 s7;
	v6 =	vld.idx.msk [tilespmem:v6+s16+$0x0], $0xffff;
	[tilespmem:s30+$0x12800] =	vst v7;
	v7 =	vadd.s32 $0x1200, v0  }
0x175: {  	v18 =	vor.u32 v11, v18;
	v19 =	vld.idx.msk [tilespmem:v13+s16+$0x0], $0xffff;
	[tilespmem:s3+$0x12A80] =	vst v10  }
0x176: {  	v10 =	vor.u32 $0x280, v4;
	[tilespmem:s8+$0xE880] =	vst v15;
	v20 =	vld.idx.msk [tilespmem:v9+s16+$0x0], $0xffff  }
0x177: {  	v9 =	vadd.s32 $0x1100, v1;
	v21 =	vld.idx.msk [tilespmem:v17+s16+$0x0], $0xffff;
	[tilespmem:s2+$0xEB00] =	vst v14  }
0x178: {  	v22 =	vld.idx.msk [tilespmem:v16+s16+$0x0], $0xffff;
	[tilespmem:s31+$0x12980] =	vst v8;
	v8 =	vadd.s32 $0x1380, v2;
	v11 =	vmovc v12;
	v2 =	vmovc v0;
	v0 =	vmov v1;
	v1 =	vmov v3  }
0x179: {  	s19 =	sadd.s32 $0x1, s19;
	v16 =	vor.u32 $0x180, v5;
	v3 =	vmovc v4;
	v4 =	vmov v5;
	v5 =	vmov v18;
	v23 =	vld.idx.msk [tilespmem:v7+s16+$0x0], $0xffff  }
0x17a: {  	s7 =	sand.u32 $0x7, s19;
	v15 =	vld.idx.msk [tilespmem:v18+s16+$0x0], $0xffff;
	[tilespmem:s0+$0xEA00] =	vst v6;
	v6 =	vadd.s32 $0x1000, v1  }
.Ltmp6:
0x17b: {  	s7 =	sshll.u32 s7, $0x4;
	v13 =	vld.idx.msk [tilespmem:v10+s16+$0x0], $0xffff;
	[tilespmem:s30+$0x12880] =	vst v19;
	v10 =	vadd.s32 $0x1280, v2;
	(pc) =	sbr.rel @p3 .LBB2_6-.Ltmp6, $4  }
0x17c: {  	s7 =	sadd.s32 s7, s13;
	s13 =	smov.u32 s14;
	s14 =	smov.u32 s23;
	v17 =	vor.u32 $0x80, v5;
	v9 =	vld.idx.msk [tilespmem:v9+s16+$0x0], $0xffff;
	[tilespmem:s3+$0x12B00] =	vst v20  }
0x17d: {  	s23 =	sadd.s32 $0x80, s23;
	s7 =	sor.u32 $0x380, s7;
	v14 =	vor.u32 $0x300, v3;
	[tilespmem:s8+$0xE900] =	vst v21;
	v12 =	vld.idx.msk [tilespmem:v8+s16+$0x0], $0xffff  }
0x17e: {  	s4 =	sand.u32 $0x70, s21;
	s21 =	smov.u32 s18;
	s9 =	sand.u32 $0x3C00, s23;
	v8 =	vadd.s32 $0x1180, v0;
	v16 =	vld.idx.msk [tilespmem:v16+s16+$0x0], $0xffff;
	[tilespmem:s7+$0xE800] =	vst v22  }
0x17f: {  	s18 =	sadd.s32 $0x10, s18;
	s7 =	sor.u32 s4, s9;
	v7 =	vld.idx.msk [tilespmem:v6+s16+$0x0], $0xffff;
	[tilespmem:s31+$0x12A00] =	vst v23  }
0x180: {  	v6 =	vshll.u32 v11, $0x3  }
0x181: {  	v32 =	vand.u32 $0x7F, v11;
	v6 =	vand.u32 $0xFFFFFC00, v6  }
0x182: {  	v6 =	vor.u32 v32, v6;
	_ =	sdelay $0x4  }
0x183: {  	v11 =	vld.idx.msk [tilespmem:v6+s16+$0x0], $0xffff  }
0x184: {  	v18 =	vor.u32 $0x80, v6  }
0x185: {  	s18 =	sadd.s32 $0x80, s23  }
0x186: {  	s4 =	sand.u32 $0x70, s21;
	s9 =	sand.u32 $0x3C00, s18  }
0x187: {  	[tilespmem:s7+$0xE800] =	vst v15;
	s22 =	sor.u32 s4, s9  }
0x188: {  	v15 =	vld.idx.msk [tilespmem:v17+s16+$0x0], $0xffff;
	[tilespmem:s22+$0xE800] =	vst v11  }
0x189: {  	v33 =	vor.u32 $0x100, v5;
	v34 =	vld.idx.msk [tilespmem:v18+s16+$0x0], $0xffff  }
0x18a: {  	v35 =	vor.u32 $0x100, v6;
	_ =	sdelay $0x2  }
0x18b: {  	[tilespmem:s7+$0xE880] =	vst v15  }
0x18c: {  	v11 =	vld.idx.msk [tilespmem:v33+s16+$0x0], $0xffff;
	[tilespmem:s22+$0xE880] =	vst v34  }
0x18d: {  	v36 =	vor.u32 $0x180, v5;
	v17 =	vld.idx.msk [tilespmem:v35+s16+$0x0], $0xffff  }
0x18e: {  	v37 =	vor.u32 $0x180, v6;
	_ =	sdelay $0x2  }
0x18f: {  	[tilespmem:s7+$0xE900] =	vst v11  }
0x190: {  	v38 =	vor.u32 $0x200, v4;
	v15 =	vld.idx.msk [tilespmem:v36+s16+$0x0], $0xffff;
	[tilespmem:s22+$0xE900] =	vst v17  }
0x191: {  	v39 =	vor.u32 $0x200, v5;
	v18 =	vld.idx.msk [tilespmem:v37+s16+$0x0], $0xffff  }
0x192: {  	v19 =	vor.u32 $0x200, v6;
	_ =	sdelay $0x1  }
0x193: {  	[tilespmem:s8+$0xE980] =	vst v16  }
0x194: {  	v11 =	vld.idx.msk [tilespmem:v38+s16+$0x0], $0xffff;
	[tilespmem:s7+$0xE980] =	vst v15  }
0x195: {  	v40 =	vor.u32 $0x280, v4;
	v41 =	vld.idx.msk [tilespmem:v39+s16+$0x0], $0xffff;
	[tilespmem:s22+$0xE980] =	vst v18  }
0x196: {  	v42 =	vor.u32 $0x280, v5;
	v18 =	vld.idx.msk [tilespmem:v19+s16+$0x0], $0xffff  }
0x197: {  	v43 =	vor.u32 $0x280, v6;
	_ =	sdelay $0x1  }
0x198: {  	[tilespmem:s8+$0xEA00] =	vst v11  }
0x199: {  	v11 =	vld.idx.msk [tilespmem:v40+s16+$0x0], $0xffff;
	[tilespmem:s7+$0xEA00] =	vst v41  }
0x19a: {  	v44 =	vor.u32 $0x300, v4;
	v16 =	vld.idx.msk [tilespmem:v42+s16+$0x0], $0xffff;
	[tilespmem:s22+$0xEA00] =	vst v18  }
0x19b: {  	v45 =	vor.u32 $0x300, v5;
	v18 =	vld.idx.msk [tilespmem:v43+s16+$0x0], $0xffff  }
0x19c: {  	v46 =	vor.u32 $0x300, v6  }
0x19d: {  	[tilespmem:s0+$0xEA80] =	vst v13  }
0x19e: {  	v13 =	vld.idx.msk [tilespmem:v14+s16+$0x0], $0xffff;
	[tilespmem:s8+$0xEA80] =	vst v11  }
0x19f: {  	v47 =	vor.u32 $0x380, v3;
	v48 =	vld.idx.msk [tilespmem:v44+s16+$0x0], $0xffff;
	[tilespmem:s7+$0xEA80] =	vst v16  }
0x1a0: {  	v49 =	vor.u32 $0x380, v4;
	v16 =	vld.idx.msk [tilespmem:v45+s16+$0x0], $0xffff;
	[tilespmem:s22+$0xEA80] =	vst v18  }
0x1a1: {  	v50 =	vor.u32 $0x380, v5;
	v18 =	vld.idx.msk [tilespmem:v46+s16+$0x0], $0xffff  }
0x1a2: {  	v51 =	vor.u32 $0x380, v6  }
0x1a3: {  	s9 =	sadd.s32 $0x1, s19;
	[tilespmem:s0+$0xEB00] =	vst v13  }
0x1a4: {  	s19 =	sand.u32 $0x7, s9;
	s4 =	sadd.s32 $0x1, s9;
	v11 =	vld.idx.msk [tilespmem:v47+s16+$0x0], $0xffff;
	[tilespmem:s8+$0xEB00] =	vst v48  }
0x1a5: {  	v52 =	vadd.s32 $0x1000, v3;
	s9 =	sshll.u32 s19, $0x4;
	s21 =	sand.u32 $0x7, s4;
	v14 =	vld.idx.msk [tilespmem:v49+s16+$0x0], $0xffff;
	[tilespmem:s7+$0xEB00] =	vst v16  }
0x1a6: {  	v53 =	vadd.s32 $0x1000, v4;
	s4 =	sadd.s32 $0x1, s4;
	s9 =	sadd.s32 s9, s13;
	s19 =	sshll.u32 s21, $0x4;
	v16 =	vld.idx.msk [tilespmem:v50+s16+$0x0], $0xffff;
	[tilespmem:s22+$0xEB00] =	vst v18  }
0x1a7: {  	v54 =	vadd.s32 $0x1000, v5;
	[tilespmem:s30+$0x12900] =	vst v9;
	s21 =	sadd.s32 s19, s14;
	s14 =	sand.u32 $0x7, s4;
	s4 =	sadd.s32 $0x1, s4;
	v55 =	vld.idx.msk [tilespmem:v51+s16+$0x0], $0xffff  }
0x1a8: {  	[tilespmem:s3+$0x12B80] =	vst v12;
	v56 =	vadd.s32 $0x1000, v6;
	s9 =	sor.u32 $0x380, s9;
	s13 =	sshll.u32 s14, $0x4;
	s4 =	sand.u32 $0x7, s4  }
0x1a9: {  	v10 =	vld.idx.msk [tilespmem:v10+s16+$0x0], $0xffff;
	s3 =	sor.u32 $0x380, s21;
	s19 =	sadd.s32 s13, s23;
	s4 =	sshll.u32 s4, $0x4;
	[tilespmem:s9+$0xE800] =	vst v11  }
0x1aa: {  	v57 =	vadd.s32 $0x1080, v1;
	s21 =	sor.u32 $0x380, s19;
	s4 =	sadd.s32 s4, s18;
	v13 =	vld.idx.msk [tilespmem:v52+s16+$0x0], $0xffff;
	[tilespmem:s3+$0xE800] =	vst v14  }
0x1ab: {  	v58 =	vadd.s32 $0x1080, v3;
	s23 =	sor.u32 $0x380, s4;
	v15 =	vld.idx.msk [tilespmem:v53+s16+$0x0], $0xffff;
	[tilespmem:s21+$0xE800] =	vst v16  }
0x1ac: {  	v59 =	vadd.s32 $0x1080, v4;
	v12 =	vld.idx.msk [tilespmem:v54+s16+$0x0], $0xffff;
	[tilespmem:s23+$0xE800] =	vst v55  }
0x1ad: {  	v60 =	vadd.s32 $0x1080, v5;
	[tilespmem:s2+$0x12800] =	vst v7;
	v9 =	vld.idx.msk [tilespmem:v56+s16+$0x0], $0xffff  }
0x1ae: {  	v8 =	vld.idx.msk [tilespmem:v8+s16+$0x0], $0xffff;
	v61 =	vadd.s32 $0x1080, v6;
	[tilespmem:s31+$0x12A80] =	vst v10  }
0x1af: {  	v62 =	vadd.s32 $0x1300, v2;
	v11 =	vld.idx.msk [tilespmem:v57+s16+$0x0], $0xffff;
	[tilespmem:s0+$0x12800] =	vst v13  }
0x1b0: {  	v63 =	vadd.s32 $0x1100, v1;
	v14 =	vld.idx.msk [tilespmem:v58+s16+$0x0], $0xffff;
	[tilespmem:s8+$0x12800] =	vst v15  }
0x1b1: {  	v20 =	vadd.s32 $0x1100, v3;
	v16 =	vld.idx.msk [tilespmem:v59+s16+$0x0], $0xffff;
	[tilespmem:s7+$0x12800] =	vst v12  }
0x1b2: {  	v21 =	vadd.s32 $0x1100, v4;
	v7 =	vld.idx.msk [tilespmem:v60+s16+$0x0], $0xffff;
	[tilespmem:s22+$0x12800] =	vst v9  }
0x1b3: {  	v22 =	vadd.s32 $0x1100, v5;
	[tilespmem:s30+$0x12980] =	vst v8;
	v9 =	vld.idx.msk [tilespmem:v61+s16+$0x0], $0xffff  }
0x1b4: {  	v24 =	vadd.s32 $0x1100, v6;
	v23 =	vld.idx.msk [tilespmem:v62+s16+$0x0], $0xffff;
	[tilespmem:s2+$0x12880] =	vst v11  }
0x1b5: {  	v25 =	vadd.s32 $0x1200, v0;
	v13 =	vld.idx.msk [tilespmem:v63+s16+$0x0], $0xffff;
	[tilespmem:s0+$0x12880] =	vst v14  }
0x1b6: {  	v26 =	vadd.s32 $0x1180, v1;
	v15 =	vld.idx.msk [tilespmem:v20+s16+$0x0], $0xffff;
	[tilespmem:s8+$0x12880] =	vst v16  }
0x1b7: {  	v27 =	vadd.s32 $0x1180, v3;
	v12 =	vld.idx.msk [tilespmem:v21+s16+$0x0], $0xffff;
	[tilespmem:s7+$0x12880] =	vst v7  }
0x1b8: {  	v28 =	vadd.s32 $0x1180, v4;
	v8 =	vld.idx.msk [tilespmem:v22+s16+$0x0], $0xffff;
	[tilespmem:s22+$0x12880] =	vst v9  }
0x1b9: {  	v29 =	vadd.s32 $0x1180, v5;
	[tilespmem:s31+$0x12B00] =	vst v23;
	v30 =	vld.idx.msk [tilespmem:v24+s16+$0x0], $0xffff  }
0x1ba: {  	v32 =	vadd.s32 $0x1180, v6;
	v31 =	vld.idx.msk [tilespmem:v25+s16+$0x0], $0xffff;
	[tilespmem:s2+$0x12900] =	vst v13  }
0x1bb: {  	v33 =	vadd.s32 $0x1380, v2;
	v14 =	vld.idx.msk [tilespmem:v26+s16+$0x0], $0xffff;
	[tilespmem:s0+$0x12900] =	vst v15  }
0x1bc: {  	v34 =	vadd.s32 $0x1200, v1;
	v16 =	vld.idx.msk [tilespmem:v27+s16+$0x0], $0xffff;
	[tilespmem:s8+$0x12900] =	vst v12  }
0x1bd: {  	v35 =	vadd.s32 $0x1200, v3;
	v7 =	vld.idx.msk [tilespmem:v28+s16+$0x0], $0xffff;
	[tilespmem:s7+$0x12900] =	vst v8  }
0x1be: {  	v36 =	vadd.s32 $0x1200, v4;
	v9 =	vld.idx.msk [tilespmem:v29+s16+$0x0], $0xffff;
	[tilespmem:s22+$0x12900] =	vst v30  }
0x1bf: {  	[tilespmem:s30+$0x12A00] =	vst v31;
	v37 =	vadd.s32 $0x1200, v5;
	v38 =	vld.idx.msk [tilespmem:v32+s16+$0x0], $0xffff  }
0x1c0: {  	v2 =	vld.idx.msk [tilespmem:v33+s16+$0x0], $0xffff;
	v39 =	vadd.s32 $0x1200, v6;
	[tilespmem:s2+$0x12980] =	vst v14  }
0x1c1: {  	v40 =	vadd.s32 $0x1280, v0;
	v15 =	vld.idx.msk [tilespmem:v34+s16+$0x0], $0xffff;
	[tilespmem:s0+$0x12980] =	vst v16  }
0x1c2: {  	v41 =	vadd.s32 $0x1280, v1;
	v12 =	vld.idx.msk [tilespmem:v35+s16+$0x0], $0xffff;
	[tilespmem:s8+$0x12980] =	vst v7  }
0x1c3: {  	v42 =	vadd.s32 $0x1280, v3;
	v8 =	vld.idx.msk [tilespmem:v36+s16+$0x0], $0xffff;
	[tilespmem:s7+$0x12980] =	vst v9  }
0x1c4: {  	v43 =	vadd.s32 $0x1280, v4;
	v10 =	vld.idx.msk [tilespmem:v37+s16+$0x0], $0xffff;
	[tilespmem:s22+$0x12980] =	vst v38  }
0x1c5: {  	[tilespmem:s31+$0x12B80] =	vst v2;
	v44 =	vadd.s32 $0x1280, v5;
	v11 =	vld.idx.msk [tilespmem:v39+s16+$0x0], $0xffff  }
0x1c6: {  	v45 =	vld.idx.msk [tilespmem:v40+s16+$0x0], $0xffff;
	v46 =	vadd.s32 $0x1280, v6;
	[tilespmem:s2+$0x12A00] =	vst v15  }
0x1c7: {  	v47 =	vadd.s32 $0x1300, v0;
	v16 =	vld.idx.msk [tilespmem:v41+s16+$0x0], $0xffff;
	[tilespmem:s0+$0x12A00] =	vst v12  }
0x1c8: {  	v48 =	vadd.s32 $0x1300, v1;
	v7 =	vld.idx.msk [tilespmem:v42+s16+$0x0], $0xffff;
	[tilespmem:s8+$0x12A00] =	vst v8  }
0x1c9: {  	v49 =	vadd.s32 $0x1300, v3;
	v9 =	vld.idx.msk [tilespmem:v43+s16+$0x0], $0xffff;
	[tilespmem:s7+$0x12A00] =	vst v10  }
0x1ca: {  	v50 =	vadd.s32 $0x1300, v4;
	v2 =	vld.idx.msk [tilespmem:v44+s16+$0x0], $0xffff;
	[tilespmem:s22+$0x12A00] =	vst v11  }
0x1cb: {  	[tilespmem:s30+$0x12A80] =	vst v45;
	v51 =	vadd.s32 $0x1300, v5;
	v52 =	vld.idx.msk [tilespmem:v46+s16+$0x0], $0xffff  }
0x1cc: {  	v53 =	vld.idx.msk [tilespmem:v47+s16+$0x0], $0xffff;
	v54 =	vadd.s32 $0x1300, v6;
	[tilespmem:s2+$0x12A80] =	vst v16  }
0x1cd: {  	v55 =	vadd.s32 $0x1380, v0;
	v12 =	vld.idx.msk [tilespmem:v48+s16+$0x0], $0xffff;
	[tilespmem:s0+$0x12A80] =	vst v7  }
0x1ce: {  	v56 =	vadd.s32 $0x1380, v1;
	v7 =	vld.idx.msk [tilespmem:v49+s16+$0x0], $0xffff;
	[tilespmem:s8+$0x12A80] =	vst v9  }
0x1cf: {  	v57 =	vadd.s32 $0x1380, v3;
	v58 =	vld.idx.msk [tilespmem:v50+s16+$0x0], $0xffff;
	[tilespmem:s7+$0x12A80] =	vst v2  }
0x1d0: {  	v59 =	vadd.s32 $0x1380, v4;
	v60 =	vld.idx.msk [tilespmem:v51+s16+$0x0], $0xffff;
	[tilespmem:s22+$0x12A80] =	vst v52  }
0x1d1: {  	[tilespmem:s30+$0x12B00] =	vst v53;
	v61 =	vadd.s32 $0x1380, v5;
	v62 =	vld.idx.msk [tilespmem:v54+s16+$0x0], $0xffff  }
0x1d2: {  	v6 =	vadd.s32 $0x1380, v6;
	v0 =	vld.idx.msk [tilespmem:v55+s16+$0x0], $0xffff;
	[tilespmem:s2+$0x12B00] =	vst v12  }
0x1d3: {  	v1 =	vld.idx.msk [tilespmem:v56+s16+$0x0], $0xffff;
	[tilespmem:s0+$0x12B00] =	vst v7  }
0x1d4: {  	v3 =	vld.idx.msk [tilespmem:v57+s16+$0x0], $0xffff;
	[tilespmem:s8+$0x12B00] =	vst v58  }
0x1d5: {  	v2 =	vld.idx.msk [tilespmem:v59+s16+$0x0], $0xffff;
	[tilespmem:s7+$0x12B00] =	vst v60  }
0x1d6: {  	v4 =	vld.idx.msk [tilespmem:v61+s16+$0x0], $0xffff;
	[tilespmem:s22+$0x12B00] =	vst v62  }
0x1d7: {  	[tilespmem:s30+$0x12B80] =	vst v0;
	v63 =	vld.idx.msk [tilespmem:v6+s16+$0x0], $0xffff  }
0x1d8: {  	[tilespmem:s2+$0x12B80] =	vst v1  }
0x1d9: {  	[tilespmem:s0+$0x12B80] =	vst v3  }
0x1da: {  	[tilespmem:s8+$0x12B80] =	vst v2  }
0x1db: {  	s4 =	rddreg [dreg:$0x2];
	s30 =	sshll.u32 s29, $0xC;
	[tilespmem:s7+$0x12B80] =	vst v4  }
0x1dc: {  	s31 =	simm.s32 $0xE800;
	s0 =	sadd.s32 s4, s30;
	[tilespmem:s22+$0x12B80] =	vst v63  }
0x1dd: {  	[hbm4b:s0+s5] =	stream.linear.scatter [tilespmem:s31], [sflag:$0x5], $0x8000, $0x38;
	[tilespmem:$0x1E800] =	vst v63  }
.LBB2_8:
0x1de: {  	s0 =	sadd.s32 s11, s25  }
0x1df: {  	p3 =	sgt.u32 s0, $0xC34  }
0x1e0: {  	s0 =	sshll.u32 @!p3 s0, $0xA  }
0x1e1: {  	s2 =	simm.s32 @!p3 $0x0;
	s3 =	simm.s32 @!p3 $0x800;
	s0 =	sadd.s32 @!p3 s1, s0  }
0x1e2: {  	[tilespmem:s3], [sflag:$0x1] =	stream.linear.gather @!p3 [hbm4b:s0+s2], $0x2000, $0x38;
	[tilespmem:$0x1E800] =	vst v63  }
0x1e3: {  	s0 =	simm.s32 @!p2 $0x3  }
0x1e4: {  	_ =	swait.ge @!p2 [sflag:s0], $0x2000  }
.Ltmp7:
0x1e5: {  	[sflag:s0] =	ssyncset.done @!p2 $0x0;
	(pc) =	sbr.rel @p2 .LBB2_12-.Ltmp7, $4  }
0x1e6: {  	[sflag:s0] =	ssyncadd.s32 @!p2 $0xFFFFE000;
	s0 =	simm.s32 @!p1 $0x6  }
0x1e7: {  	_ =	swait.ge @!p1 [sflag:s0], $0x8000  }
0x1e8: {  	[sflag:s0] =	ssyncset.done @!p1 $0x0  }
0x1e9: {  	[sflag:s0] =	ssyncadd.s32 @!p1 $0xFFFF8000  }
0x1ea: {  	v0 =	vld [tilespmem:s28+$0x0];
	_ =	sdelay $0x4  }
0x1eb: {  	v1 =	vshll.u32 v0, $0x3  }
0x1ec: {  	v0 =	vand.u32 $0x7F, v0;
	v1 =	vand.u32 $0xFFFFFC00, v1  }
0x1ed: {  	v6 =	vor.u32 v0, v1;
	_ =	sdelay $0x4  }
0x1ee: {  	v0 =	vld.idx.msk [tilespmem:v6+s20+$0x0], $0xffff  }
0x1ef: {  	v1 =	vor.u32 $0x80, v6  }
0x1f0: {  	s2 =	simm.s32 $0x10  }
0x1f1: {  	s0 =	sand.u32 $0x70, s28;
	s3 =	sand.u32 $0x3C00, s28;
	v2 =	vld [tilespmem:s2+$0x0]  }
0x1f2: {  	s0 =	sor.u32 s0, s3  }
0x1f3: {  	[tilespmem:s0+$0x16800] =	vst v0  }
0x1f4: {  	v0 =	vld.idx.msk [tilespmem:v1+s20+$0x0], $0xffff  }
0x1f5: {  	v1 =	vor.u32 $0x100, v6  }
0x1f6: {  	v3 =	vshll.u32 v2, $0x3  }
0x1f7: {  	v2 =	vand.u32 $0x7F, v2;
	v3 =	vand.u32 $0xFFFFFC00, v3  }
0x1f8: {  	s4 =	sadd.s32 $0x16800, s0;
	v2 =	vor.u32 v2, v3  }
0x1f9: {  	[tilespmem:s4+$0x80] =	vst v0  }
0x1fa: {  	v0 =	vld.idx.msk [tilespmem:v1+s20+$0x0], $0xffff  }
0x1fb: {  	v1 =	vor.u32 $0x180, v6;
	_ =	sdelay $0x1  }
0x1fc: {  	v3 =	vld.idx.msk [tilespmem:v2+s20+$0x0], $0xffff  }
0x1fd: {  	s19 =	simm.s32 $0x20;
	v4 =	vor.u32 $0x80, v2  }
0x1fe: {  	s7 =	simm.s32 $0x80;
	v5 =	vld [tilespmem:s19+$0x0];
	[tilespmem:s4+$0x100] =	vst v0  }
0x1ff: {  	s2 =	sand.u32 $0x70, s2;
	s7 =	sand.u32 $0x3C00, s7;
	v0 =	vld.idx.msk [tilespmem:v1+s20+$0x0], $0xffff  }
0x200: {  	s30 =	sor.u32 s2, s7;
	v1 =	vor.u32 $0x200, v6  }
0x201: {  	[tilespmem:s30+$0x16800] =	vst v3  }
0x202: {  	v3 =	vld.idx.msk [tilespmem:v4+s20+$0x0], $0xffff  }
0x203: {  	v7 =	vshll.u32 v5, $0x3;
	v4 =	vor.u32 $0x100, v2  }
0x204: {  	[tilespmem:s4+$0x180] =	vst v0;
	v0 =	vand.u32 $0x7F, v5;
	v5 =	vand.u32 $0xFFFFFC00, v7  }
0x205: {  	v1 =	vld.idx.msk [tilespmem:v1+s20+$0x0], $0xffff;
	v0 =	vor.u32 v0, v5  }
0x206: {  	s2 =	sadd.s32 $0x16800, s30;
	v5 =	vor.u32 $0x280, v6  }
0x207: {  	[tilespmem:s2+$0x80] =	vst v3  }
0x208: {  	v3 =	vld.idx.msk [tilespmem:v4+s20+$0x0], $0xffff  }
0x209: {  	v4 =	vor.u32 $0x180, v2  }
0x20a: {  	v7 =	vld.idx.msk [tilespmem:v0+s20+$0x0], $0xffff;
	[tilespmem:s4+$0x200] =	vst v1  }
0x20b: {  	v1 =	vld.idx.msk [tilespmem:v5+s20+$0x0], $0xffff;
	v5 =	vor.u32 $0x80, v0  }
0x20c: {  	s21 =	simm.s32 $0x30;
	s8 =	simm.s32 $0x100;
	v8 =	vor.u32 $0x300, v6  }
0x20d: {  	v9 =	vld [tilespmem:s21+$0x0];
	s3 =	sand.u32 $0x70, s19;
	s8 =	sand.u32 $0x3C00, s8;
	[tilespmem:s2+$0x100] =	vst v3  }
0x20e: {  	s29 =	sor.u32 s3, s8;
	v3 =	vld.idx.msk [tilespmem:v4+s20+$0x0], $0xffff  }
0x20f: {  	v4 =	vor.u32 $0x200, v2;
	[tilespmem:s29+$0x16800] =	vst v7  }
0x210: {  	v5 =	vld.idx.msk [tilespmem:v5+s20+$0x0], $0xffff;
	[tilespmem:s4+$0x280] =	vst v1  }
0x211: {  	v7 =	vld.idx.msk [tilespmem:v8+s20+$0x0], $0xffff;
	v8 =	vor.u32 $0x100, v0  }
0x212: {  	v10 =	vor.u32 $0x380, v6;
	v1 =	vshll.u32 v9, $0x3  }
0x213: {  	[tilespmem:s2+$0x180] =	vst v3;
	v3 =	vand.u32 $0x7F, v9;
	v1 =	vand.u32 $0xFFFFFC00, v1  }
0x214: {  	s3 =	sadd.s32 $0x16800, s29;
	v4 =	vld.idx.msk [tilespmem:v4+s20+$0x0], $0xffff;
	v1 =	vor.u32 v3, v1  }
0x215: {  	v3 =	vor.u32 $0x280, v2;
	[tilespmem:s3+$0x80] =	vst v5  }
0x216: {  	v5 =	vld.idx.msk [tilespmem:v8+s20+$0x0], $0xffff;
	[tilespmem:s4+$0x300] =	vst v7  }
0x217: {  	v8 =	vor.u32 $0x180, v0;
	v7 =	vld.idx.msk [tilespmem:v10+s20+$0x0], $0xffff  }
0x218: {  	s22 =	sand.u32 $0x7, s28;
	v9 =	vadd.s32 $0x1000, v6  }
0x219: {  	[tilespmem:s2+$0x200] =	vst v4;
	s4 =	sshll.u32 s22, $0x4;
	v10 =	vld.idx.msk [tilespmem:v1+s20+$0x0], $0xffff  }
0x21a: {  	s9 =	simm.s32 $0x40;
	v4 =	vor.u32 $0x80, v1;
	v3 =	vld.idx.msk [tilespmem:v3+s20+$0x0], $0xffff;
	s4 =	sadd.s32 $0x0, s4  }
0x21b: {  	s23 =	simm.s32 $0x180;
	v11 =	vld [tilespmem:s9+$0x0];
	s4 =	sor.u32 $0x380, s4;
	[tilespmem:s3+$0x100] =	vst v5;
	v5 =	vor.u32 $0x300, v2  }
0x21c: {  	s7 =	sand.u32 $0x70, s21;
	s8 =	sand.u32 $0x3C00, s23;
	v8 =	vld.idx.msk [tilespmem:v8+s20+$0x0], $0xffff;
	[tilespmem:s4+$0x16800] =	vst v7  }
0x21d: {  	s28 =	sor.u32 s7, s8;
	v7 =	vld.idx.msk [tilespmem:v9+s20+$0x0], $0xffff;
	v9 =	vor.u32 $0x200, v0  }
0x21e: {  	[tilespmem:s28+$0x16800] =	vst v10;
	v10 =	vadd.s32 $0x1080, v6  }
0x21f: {  	[tilespmem:s2+$0x280] =	vst v3;
	v4 =	vld.idx.msk [tilespmem:v4+s20+$0x0], $0xffff  }
0x220: {  	v12 =	vor.u32 $0x100, v1;
	v3 =	vshll.u32 v11, $0x3;
	v5 =	vld.idx.msk [tilespmem:v5+s20+$0x0], $0xffff  }
0x221: {  	v11 =	vand.u32 $0x7F, v11;
	v3 =	vand.u32 $0xFFFFFC00, v3;
	[tilespmem:s3+$0x180] =	vst v8;
	v8 =	vor.u32 $0x380, v2  }
0x222: {  	v3 =	vor.u32 v11, v3;
	v9 =	vld.idx.msk [tilespmem:v9+s20+$0x0], $0xffff;
	[tilespmem:s0+$0x1A800] =	vst v7  }
0x223: {  	s13 =	sadd.s32 $0x16800, s28;
	v7 =	vld.idx.msk [tilespmem:v10+s20+$0x0], $0xffff;
	v10 =	vor.u32 $0x280, v0  }
0x224: {  	[tilespmem:s13+$0x80] =	vst v4;
	v4 =	vadd.s32 $0x1100, v6  }
0x225: {  	v11 =	vld.idx.msk [tilespmem:v12+s20+$0x0], $0xffff;
	[tilespmem:s2+$0x300] =	vst v5  }
0x226: {  	s8 =	simm.s32 $0x1;
	v5 =	vld.idx.msk [tilespmem:v8+s20+$0x0], $0xffff;
	v8 =	vor.u32 $0x180, v1  }
0x227: {  	v12 =	vld.idx.msk [tilespmem:v3+s20+$0x0], $0xffff;
	s2 =	sand.u32 $0x7, s8;
	[tilespmem:s3+$0x200] =	vst v9;
	v9 =	vadd.s32 $0x1000, v2  }
0x228: {  	s2 =	sshll.u32 s2, $0x4;
	v10 =	vld.idx.msk [tilespmem:v10+s20+$0x0], $0xffff;
	[tilespmem:s0+$0x1A880] =	vst v7;
	v7 =	vor.u32 $0x80, v3  }
0x229: {  	s14 =	simm.s32 $0x50;
	v13 =	vor.u32 $0x300, v0;
	s8 =	simm.s32 $0x200;
	s2 =	sadd.s32 $0x80, s2;
	v4 =	vld.idx.msk [tilespmem:v4+s20+$0x0], $0xffff  }
0x22a: {  	v14 =	vld [tilespmem:s14+$0x0];
	s19 =	sand.u32 $0x70, s9;
	s21 =	sand.u32 $0x3C00, s8;
	[tilespmem:s13+$0x100] =	vst v11;
	s2 =	sor.u32 $0x380, s2;
	v11 =	vadd.s32 $0x1180, v6  }
0x22b: {  	v8 =	vld.idx.msk [tilespmem:v8+s20+$0x0], $0xffff;
	[tilespmem:s2+$0x16800] =	vst v5;
	s2 =	sor.u32 s19, s21  }
0x22c: {  	v5 =	vld.idx.msk [tilespmem:v9+s20+$0x0], $0xffff;
	[tilespmem:s2+$0x16800] =	vst v12;
	v9 =	vor.u32 $0x200, v1  }
0x22d: {  	v7 =	vld.idx.msk [tilespmem:v7+s20+$0x0], $0xffff;
	[tilespmem:s3+$0x280] =	vst v10;
	v10 =	vadd.s32 $0x1080, v2  }
0x22e: {  	v12 =	vld.idx.msk [tilespmem:v13+s20+$0x0], $0xffff;
	[tilespmem:s0+$0x1A900] =	vst v4;
	v13 =	vor.u32 $0x100, v3  }
0x22f: {  	s18 =	simm.s32 $0x60;
	v15 =	vor.u32 $0x380, v0;
	v4 =	vshll.u32 v14, $0x3;
	v11 =	vld.idx.msk [tilespmem:v11+s20+$0x0], $0xffff  }
0x230: {  	v16 =	vld [tilespmem:s18+$0x0];
	v4 =	vand.u32 $0xFFFFFC00, v4;
	[tilespmem:s13+$0x180] =	vst v8;
	v8 =	vand.u32 $0x7F, v14;
	v14 =	vadd.s32 $0x1200, v6  }
0x231: {  	s7 =	sadd.s32 $0x16800, s2;
	v9 =	vld.idx.msk [tilespmem:v9+s20+$0x0], $0xffff;
	[tilespmem:s30+$0x1A800] =	vst v5;
	v4 =	vor.u32 v8, v4  }
0x232: {  	v5 =	vld.idx.msk [tilespmem:v10+s20+$0x0], $0xffff;
	[tilespmem:s7+$0x80] =	vst v7;
	v7 =	vor.u32 $0x280, v1  }
0x233: {  	v10 =	vadd.s32 $0x1100, v2;
	v8 =	vld.idx.msk [tilespmem:v13+s20+$0x0], $0xffff;
	[tilespmem:s3+$0x300] =	vst v12  }
0x234: {  	s22 =	simm.s32 $0x2;
	v12 =	vld.idx.msk [tilespmem:v15+s20+$0x0], $0xffff;
	[tilespmem:s0+$0x1A980] =	vst v11;
	v11 =	vor.u32 $0x180, v3  }
0x235: {  	s3 =	sand.u32 $0x7, s22;
	v13 =	vld.idx.msk [tilespmem:v14+s20+$0x0], $0xffff;
	v14 =	vadd.s32 $0x1000, v0  }
0x236: {  	s3 =	sshll.u32 s3, $0x4;
	v15 =	vld.idx.msk [tilespmem:v4+s20+$0x0], $0xffff;
	[tilespmem:s13+$0x200] =	vst v9;
	v9 =	vadd.s32 $0x1280, v6  }
0x237: {  	s3 =	sadd.s32 $0x100, s3;
	v7 =	vld.idx.msk [tilespmem:v7+s20+$0x0], $0xffff;
	[tilespmem:s30+$0x1A880] =	vst v5;
	v5 =	vor.u32 $0x80, v4  }
0x238: {  	s31 =	simm.s32 $0x280;
	s3 =	sor.u32 $0x380, s3;
	v10 =	vld.idx.msk [tilespmem:v10+s20+$0x0], $0xffff;
	[tilespmem:s7+$0x100] =	vst v8;
	v8 =	vor.u32 $0x300, v1  }
0x239: {  	s23 =	sand.u32 $0x3C00, s31;
	s4 =	sand.u32 $0x70, s14;
	v17 =	vld.idx.msk [tilespmem:v11+s20+$0x0], $0xffff;
	[tilespmem:s3+$0x16800] =	vst v12;
	v11 =	vadd.s32 $0x1180, v2  }
0x23a: {  	s3 =	sor.u32 s4, s23;
	v12 =	vld.idx.msk [tilespmem:v14+s20+$0x0], $0xffff;
	[tilespmem:s0+$0x1AA00] =	vst v13  }
0x23b: {  	v13 =	vor.u32 $0x200, v3;
	[tilespmem:s3+$0x16800] =	vst v15;
	v9 =	vld.idx.msk [tilespmem:v9+s20+$0x0], $0xffff  }
0x23c: {  	v14 =	vld.idx.msk [tilespmem:v5+s20+$0x0], $0xffff;
	[tilespmem:s13+$0x280] =	vst v7;
	v7 =	vadd.s32 $0x1080, v0  }
0x23d: {  	v8 =	vld.idx.msk [tilespmem:v8+s20+$0x0], $0xffff;
	[tilespmem:s30+$0x1A900] =	vst v10;
	v10 =	vadd.s32 $0x1300, v6  }
0x23e: {  	s14 =	simm.s32 $0x70;
	v5 =	vshll.u32 v16, $0x3;
	v18 =	vld.idx.msk [tilespmem:v11+s20+$0x0], $0xffff;
	[tilespmem:s7+$0x180] =	vst v17;
	v17 =	vor.u32 $0x380, v1  }
0x23f: {  	v15 =	vor.u32 $0x100, v4;
	v16 =	vand.u32 $0x7F, v16;
	v5 =	vand.u32 $0xFFFFFC00, v5;
	v11 =	vld [tilespmem:s14+$0x0];
	[tilespmem:s29+$0x1A800] =	vst v12  }
0x240: {  	s23 =	sadd.s32 $0x16800, s3;
	v5 =	vor.u32 v16, v5;
	v13 =	vld.idx.msk [tilespmem:v13+s20+$0x0], $0xffff;
	[tilespmem:s0+$0x1AA80] =	vst v9  }
0x241: {  	v12 =	vadd.s32 $0x1200, v2;
	v7 =	vld.idx.msk [tilespmem:v7+s20+$0x0], $0xffff;
	[tilespmem:s23+$0x80] =	vst v14  }
0x242: {  	v9 =	vor.u32 $0x280, v3;
	v14 =	vld.idx.msk [tilespmem:v10+s20+$0x0], $0xffff;
	[tilespmem:s13+$0x300] =	vst v8  }
0x243: {  	s19 =	simm.s32 $0x3;
	v8 =	vadd.s32 $0x1100, v0;
	v17 =	vld.idx.msk [tilespmem:v17+s20+$0x0], $0xffff  }
0x244: {  	s9 =	sand.u32 $0x7, s19;
	v6 =	vadd.s32 $0x1380, v6;
	v15 =	vld.idx.msk [tilespmem:v15+s20+$0x0], $0xffff;
	[tilespmem:s30+$0x1A980] =	vst v18  }
0x245: {  	s4 =	sshll.u32 s9, $0x4;
	v18 =	vor.u32 $0x180, v4;
	v16 =	vld.idx.msk [tilespmem:v5+s20+$0x0], $0xffff;
	[tilespmem:s7+$0x200] =	vst v13  }
0x246: {  	v20 =	vadd.s32 $0x1000, v1;
	s4 =	sadd.s32 $0x180, s4;
	v19 =	vld.idx.msk [tilespmem:v12+s20+$0x0], $0xffff;
	[tilespmem:s29+$0x1A880] =	vst v7  }
0x247: {  	s4 =	sor.u32 $0x380, s4;
	v13 =	vld.idx.msk [tilespmem:v9+s20+$0x0], $0xffff;
	v9 =	vadd.s32 $0x1280, v2;
	[tilespmem:s0+$0x1AB00] =	vst v14  }
0x248: {  	v10 =	vld.idx.msk [tilespmem:v8+s20+$0x0], $0xffff;
	[tilespmem:s4+$0x16800] =	vst v17;
	v17 =	vor.u32 $0x80, v5  }
0x249: {  	s22 =	simm.s32 $0x300;
	[tilespmem:s23+$0x100] =	vst v15;
	v14 =	vor.u32 $0x300, v3;
	v12 =	vld.idx.msk [tilespmem:v6+s20+$0x0], $0xffff  }
0x24a: {  	s13 =	sand.u32 $0x70, s18;
	s18 =	sand.u32 $0x3C00, s22;
	v8 =	vadd.s32 $0x1180, v0;
	v15 =	vld.idx.msk [tilespmem:v18+s20+$0x0], $0xffff  }
0x24b: {  	s21 =	simm.s32 $0x80;
	s13 =	sor.u32 s13, s18;
	s18 =	simm.s32 $0x70;
	v7 =	vld.idx.msk [tilespmem:v20+s20+$0x0], $0xffff;
	[tilespmem:s30+$0x1AA00] =	vst v19  }
.LBB2_10:
0x24c: {  	p1 =	sne.s32 s21, $0x7F0;
	[tilespmem:s13+$0x16800] =	vst v16;
	v6 =	vor.u32 $0x200, v4;
	v9 =	vld.idx.msk [tilespmem:v9+s20+$0x0], $0xffff  }
0x24d: {  	v16 =	vld.idx.msk [tilespmem:v17+s20+$0x0], $0xffff;
	[tilespmem:s7+$0x280] =	vst v13;
	v13 =	vadd.s32 $0x1080, v1  }
0x24e: {  	v14 =	vld.idx.msk [tilespmem:v14+s20+$0x0], $0xffff;
	[tilespmem:s29+$0x1A900] =	vst v10;
	v10 =	vadd.s32 $0x1300, v2  }
0x24f: {  	s14 =	sadd.s32 $0x10, s14;
	v17 =	vor.u32 $0x100, v5;
	v8 =	vld.idx.msk [tilespmem:v8+s20+$0x0], $0xffff;
	[tilespmem:s0+$0x1AB80] =	vst v12;
	s0 =	smov.u32 s30;
	s30 =	smov.u32 s29  }
0x250: {  	v18 =	vshll.u32 v11, $0x3;
	s29 =	smov.u32 s28;
	s28 =	smov.u32 s2;
	s2 =	smov.u32 s3;
	v12 =	vld [tilespmem:s14+$0x0];
	[tilespmem:s23+$0x180] =	vst v15;
	v15 =	vor.u32 $0x380, v3  }
0x251: {  	v11 =	vand.u32 $0x7F, v11;
	v18 =	vand.u32 $0xFFFFFC00, v18;
	s3 =	smov.u32 s13;
	v6 =	vld.idx.msk [tilespmem:v6+s20+$0x0], $0xffff;
	[tilespmem:s29+$0x1A800] =	vst v7;
	v7 =	vadd.s32 $0x1200, v0  }
0x252: {  	v18 =	vor.u32 v11, v18;
	s4 =	sadd.s32 $0x16800, s3;
	v19 =	vld.idx.msk [tilespmem:v13+s20+$0x0], $0xffff;
	[tilespmem:s0+$0x1AA80] =	vst v9  }
0x253: {  	v9 =	vor.u32 $0x280, v4;
	[tilespmem:s4+$0x80] =	vst v16;
	v20 =	vld.idx.msk [tilespmem:v10+s20+$0x0], $0xffff  }
0x254: {  	v10 =	vadd.s32 $0x1100, v1;
	v21 =	vld.idx.msk [tilespmem:v17+s20+$0x0], $0xffff;
	[tilespmem:s7+$0x300] =	vst v14;
	s7 =	smov.u32 s23;
	s23 =	smov.u32 s4  }
0x255: {  	v22 =	vld.idx.msk [tilespmem:v15+s20+$0x0], $0xffff;
	[tilespmem:s30+$0x1A980] =	vst v8;
	v8 =	vadd.s32 $0x1380, v2;
	v11 =	vmovc v12;
	v2 =	vmovc v0;
	v0 =	vmov v1;
	v1 =	vmov v3  }
0x256: {  	s19 =	sadd.s32 $0x1, s19;
	v15 =	vor.u32 $0x180, v5;
	v3 =	vmovc v4;
	v4 =	vmov v5;
	v5 =	vmov v18;
	v23 =	vld.idx.msk [tilespmem:v7+s20+$0x0], $0xffff  }
0x257: {  	s4 =	sand.u32 $0x7, s19;
	v16 =	vld.idx.msk [tilespmem:v18+s20+$0x0], $0xffff;
	[tilespmem:s7+$0x200] =	vst v6;
	v6 =	vadd.s32 $0x1000, v1  }
.Ltmp8:
0x258: {  	s4 =	sshll.u32 s4, $0x4;
	v13 =	vld.idx.msk [tilespmem:v9+s20+$0x0], $0xffff;
	[tilespmem:s29+$0x1A880] =	vst v19;
	v9 =	vadd.s32 $0x1280, v2;
	(pc) =	sbr.rel @p1 .LBB2_10-.Ltmp8, $4  }
0x259: {  	v17 =	vor.u32 $0x80, v5;
	s4 =	sadd.s32 s4, s8;
	s8 =	smov.u32 s31;
	s31 =	smov.u32 s22;
	v10 =	vld.idx.msk [tilespmem:v10+s20+$0x0], $0xffff;
	[tilespmem:s0+$0x1AB00] =	vst v20  }
0x25a: {  	s22 =	sadd.s32 $0x80, s22;
	v14 =	vor.u32 $0x300, v3;
	s4 =	sor.u32 $0x380, s4;
	[tilespmem:s23+$0x100] =	vst v21;
	v12 =	vld.idx.msk [tilespmem:v8+s20+$0x0], $0xffff  }
0x25b: {  	s9 =	sand.u32 $0x70, s18;
	s18 =	smov.u32 s21;
	s13 =	sand.u32 $0x3C00, s22;
	v8 =	vadd.s32 $0x1180, v0;
	v15 =	vld.idx.msk [tilespmem:v15+s20+$0x0], $0xffff;
	[tilespmem:s4+$0x16800] =	vst v22  }
0x25c: {  	s21 =	sadd.s32 $0x10, s21;
	s13 =	sor.u32 s9, s13;
	v7 =	vld.idx.msk [tilespmem:v6+s20+$0x0], $0xffff;
	[tilespmem:s30+$0x1AA00] =	vst v23  }
0x25d: {  	v6 =	vshll.u32 v11, $0x3  }
0x25e: {  	v34 =	vand.u32 $0x7F, v11;
	v6 =	vand.u32 $0xFFFFFC00, v6  }
0x25f: {  	v6 =	vor.u32 v34, v6;
	_ =	sdelay $0x4  }
0x260: {  	v11 =	vld.idx.msk [tilespmem:v6+s20+$0x0], $0xffff  }
0x261: {  	v18 =	vor.u32 $0x80, v6  }
0x262: {  	s21 =	sadd.s32 $0x80, s22  }
0x263: {  	s4 =	sand.u32 $0x70, s18;
	s9 =	sand.u32 $0x3C00, s21  }
0x264: {  	[tilespmem:s13+$0x16800] =	vst v16;
	s14 =	sor.u32 s4, s9  }
0x265: {  	v16 =	vld.idx.msk [tilespmem:v17+s20+$0x0], $0xffff;
	[tilespmem:s14+$0x16800] =	vst v11  }
0x266: {  	v35 =	vor.u32 $0x100, v5;
	v36 =	vld.idx.msk [tilespmem:v18+s20+$0x0], $0xffff  }
0x267: {  	v37 =	vor.u32 $0x100, v6;
	_ =	sdelay $0x1  }
0x268: {  	s4 =	sadd.s32 $0x16800, s13  }
0x269: {  	s9 =	sadd.s32 $0x16800, s14;
	[tilespmem:s4+$0x80] =	vst v16  }
0x26a: {  	v11 =	vld.idx.msk [tilespmem:v35+s20+$0x0], $0xffff;
	[tilespmem:s9+$0x80] =	vst v36  }
0x26b: {  	v38 =	vor.u32 $0x180, v5;
	v17 =	vld.idx.msk [tilespmem:v37+s20+$0x0], $0xffff  }
0x26c: {  	v39 =	vor.u32 $0x180, v6;
	_ =	sdelay $0x2  }
0x26d: {  	[tilespmem:s4+$0x100] =	vst v11  }
0x26e: {  	v40 =	vor.u32 $0x200, v4;
	v16 =	vld.idx.msk [tilespmem:v38+s20+$0x0], $0xffff;
	[tilespmem:s9+$0x100] =	vst v17  }
0x26f: {  	v41 =	vor.u32 $0x200, v5;
	v18 =	vld.idx.msk [tilespmem:v39+s20+$0x0], $0xffff  }
0x270: {  	v19 =	vor.u32 $0x200, v6;
	_ =	sdelay $0x1  }
0x271: {  	[tilespmem:s23+$0x180] =	vst v15  }
0x272: {  	v11 =	vld.idx.msk [tilespmem:v40+s20+$0x0], $0xffff;
	[tilespmem:s4+$0x180] =	vst v16  }
0x273: {  	v42 =	vor.u32 $0x280, v4;
	v16 =	vld.idx.msk [tilespmem:v41+s20+$0x0], $0xffff;
	[tilespmem:s9+$0x180] =	vst v18  }
0x274: {  	v43 =	vor.u32 $0x280, v5;
	v18 =	vld.idx.msk [tilespmem:v19+s20+$0x0], $0xffff  }
0x275: {  	v44 =	vor.u32 $0x280, v6;
	_ =	sdelay $0x1  }
0x276: {  	[tilespmem:s23+$0x200] =	vst v11  }
0x277: {  	v11 =	vld.idx.msk [tilespmem:v42+s20+$0x0], $0xffff;
	[tilespmem:s4+$0x200] =	vst v16  }
0x278: {  	v45 =	vor.u32 $0x300, v4;
	v16 =	vld.idx.msk [tilespmem:v43+s20+$0x0], $0xffff;
	[tilespmem:s9+$0x200] =	vst v18  }
0x279: {  	v46 =	vor.u32 $0x300, v5;
	v18 =	vld.idx.msk [tilespmem:v44+s20+$0x0], $0xffff  }
0x27a: {  	v47 =	vor.u32 $0x300, v6  }
0x27b: {  	[tilespmem:s7+$0x280] =	vst v13  }
0x27c: {  	v13 =	vld.idx.msk [tilespmem:v14+s20+$0x0], $0xffff;
	[tilespmem:s23+$0x280] =	vst v11  }
0x27d: {  	v48 =	vor.u32 $0x380, v3;
	v49 =	vld.idx.msk [tilespmem:v45+s20+$0x0], $0xffff;
	[tilespmem:s4+$0x280] =	vst v16  }
0x27e: {  	v50 =	vor.u32 $0x380, v4;
	v16 =	vld.idx.msk [tilespmem:v46+s20+$0x0], $0xffff;
	[tilespmem:s9+$0x280] =	vst v18  }
0x27f: {  	v51 =	vor.u32 $0x380, v5;
	v18 =	vld.idx.msk [tilespmem:v47+s20+$0x0], $0xffff  }
0x280: {  	s18 =	sadd.s32 $0x1, s19;
	v52 =	vor.u32 $0x380, v6  }
0x281: {  	s19 =	sand.u32 $0x7, s18;
	[tilespmem:s7+$0x300] =	vst v13  }
0x282: {  	s18 =	sadd.s32 $0x1, s18;
	s7 =	sshll.u32 s19, $0x4;
	v11 =	vld.idx.msk [tilespmem:v48+s20+$0x0], $0xffff;
	[tilespmem:s23+$0x300] =	vst v49  }
0x283: {  	v53 =	vadd.s32 $0x1000, v3;
	s8 =	sadd.s32 s7, s8;
	s7 =	sadd.s32 $0x1, s18;
	v14 =	vld.idx.msk [tilespmem:v50+s20+$0x0], $0xffff;
	[tilespmem:s4+$0x300] =	vst v16  }
0x284: {  	v54 =	vadd.s32 $0x1000, v4;
	s19 =	sand.u32 $0x7, s18;
	s23 =	sand.u32 $0x7, s7;
	v16 =	vld.idx.msk [tilespmem:v51+s20+$0x0], $0xffff;
	[tilespmem:s9+$0x300] =	vst v18  }
0x285: {  	v55 =	vadd.s32 $0x1000, v5;
	[tilespmem:s29+$0x1A900] =	vst v10;
	s7 =	sadd.s32 $0x1, s7;
	s4 =	sor.u32 $0x380, s8;
	s8 =	sshll.u32 s19, $0x4;
	v56 =	vld.idx.msk [tilespmem:v52+s20+$0x0], $0xffff  }
0x286: {  	[tilespmem:s0+$0x1AB80] =	vst v12;
	v57 =	vadd.s32 $0x1000, v6;
	s7 =	sand.u32 $0x7, s7;
	s8 =	sadd.s32 s8, s31;
	s9 =	sshll.u32 s23, $0x4  }
0x287: {  	v9 =	vld.idx.msk [tilespmem:v9+s20+$0x0], $0xffff;
	s7 =	sshll.u32 s7, $0x4;
	[tilespmem:s4+$0x16800] =	vst v11;
	s0 =	sor.u32 $0x380, s8;
	s18 =	sadd.s32 s9, s22  }
0x288: {  	v58 =	vadd.s32 $0x1080, v1;
	v13 =	vld.idx.msk [tilespmem:v53+s20+$0x0], $0xffff;
	[tilespmem:s0+$0x16800] =	vst v14;
	s22 =	sadd.s32 s7, s21;
	s19 =	sor.u32 $0x380, s18  }
0x289: {  	v59 =	vadd.s32 $0x1080, v3;
	v15 =	vld.idx.msk [tilespmem:v54+s20+$0x0], $0xffff;
	s23 =	sor.u32 $0x380, s22;
	[tilespmem:s19+$0x16800] =	vst v16  }
0x28a: {  	v60 =	vadd.s32 $0x1080, v4;
	v10 =	vld.idx.msk [tilespmem:v55+s20+$0x0], $0xffff;
	[tilespmem:s23+$0x16800] =	vst v56  }
0x28b: {  	v61 =	vadd.s32 $0x1080, v5;
	[tilespmem:s28+$0x1A800] =	vst v7;
	v12 =	vld.idx.msk [tilespmem:v57+s20+$0x0], $0xffff  }
0x28c: {  	v8 =	vld.idx.msk [tilespmem:v8+s20+$0x0], $0xffff;
	v62 =	vadd.s32 $0x1080, v6;
	[tilespmem:s30+$0x1AA80] =	vst v9  }
0x28d: {  	v63 =	vadd.s32 $0x1300, v2;
	v11 =	vld.idx.msk [tilespmem:v58+s20+$0x0], $0xffff;
	[tilespmem:s2+$0x1A800] =	vst v13  }
0x28e: {  	v20 =	vadd.s32 $0x1100, v1;
	v14 =	vld.idx.msk [tilespmem:v59+s20+$0x0], $0xffff;
	[tilespmem:s3+$0x1A800] =	vst v15  }
0x28f: {  	v21 =	vadd.s32 $0x1100, v3;
	v16 =	vld.idx.msk [tilespmem:v60+s20+$0x0], $0xffff;
	[tilespmem:s13+$0x1A800] =	vst v10  }
0x290: {  	v22 =	vadd.s32 $0x1100, v4;
	v7 =	vld.idx.msk [tilespmem:v61+s20+$0x0], $0xffff;
	[tilespmem:s14+$0x1A800] =	vst v12  }
0x291: {  	v23 =	vadd.s32 $0x1100, v5;
	[tilespmem:s29+$0x1A980] =	vst v8;
	v9 =	vld.idx.msk [tilespmem:v62+s20+$0x0], $0xffff  }
0x292: {  	v25 =	vadd.s32 $0x1100, v6;
	v24 =	vld.idx.msk [tilespmem:v63+s20+$0x0], $0xffff;
	[tilespmem:s28+$0x1A880] =	vst v11  }
0x293: {  	v26 =	vadd.s32 $0x1200, v0;
	v13 =	vld.idx.msk [tilespmem:v20+s20+$0x0], $0xffff;
	[tilespmem:s2+$0x1A880] =	vst v14  }
0x294: {  	v27 =	vadd.s32 $0x1180, v1;
	v15 =	vld.idx.msk [tilespmem:v21+s20+$0x0], $0xffff;
	[tilespmem:s3+$0x1A880] =	vst v16  }
0x295: {  	v28 =	vadd.s32 $0x1180, v3;
	v10 =	vld.idx.msk [tilespmem:v22+s20+$0x0], $0xffff;
	[tilespmem:s13+$0x1A880] =	vst v7  }
0x296: {  	v29 =	vadd.s32 $0x1180, v4;
	v8 =	vld.idx.msk [tilespmem:v23+s20+$0x0], $0xffff;
	[tilespmem:s14+$0x1A880] =	vst v9  }
0x297: {  	v30 =	vadd.s32 $0x1180, v5;
	[tilespmem:s30+$0x1AB00] =	vst v24;
	v11 =	vld.idx.msk [tilespmem:v25+s20+$0x0], $0xffff  }
0x298: {  	v32 =	vadd.s32 $0x1180, v6;
	v31 =	vld.idx.msk [tilespmem:v26+s20+$0x0], $0xffff;
	[tilespmem:s28+$0x1A900] =	vst v13  }
0x299: {  	v33 =	vadd.s32 $0x1380, v2;
	v14 =	vld.idx.msk [tilespmem:v27+s20+$0x0], $0xffff;
	[tilespmem:s2+$0x1A900] =	vst v15  }
0x29a: {  	v34 =	vadd.s32 $0x1200, v1;
	v16 =	vld.idx.msk [tilespmem:v28+s20+$0x0], $0xffff;
	[tilespmem:s3+$0x1A900] =	vst v10  }
0x29b: {  	v35 =	vadd.s32 $0x1200, v3;
	v7 =	vld.idx.msk [tilespmem:v29+s20+$0x0], $0xffff;
	[tilespmem:s13+$0x1A900] =	vst v8  }
0x29c: {  	v36 =	vadd.s32 $0x1200, v4;
	v9 =	vld.idx.msk [tilespmem:v30+s20+$0x0], $0xffff;
	[tilespmem:s14+$0x1A900] =	vst v11  }
0x29d: {  	[tilespmem:s29+$0x1AA00] =	vst v31;
	v37 =	vadd.s32 $0x1200, v5;
	v38 =	vld.idx.msk [tilespmem:v32+s20+$0x0], $0xffff  }
0x29e: {  	v2 =	vld.idx.msk [tilespmem:v33+s20+$0x0], $0xffff;
	v39 =	vadd.s32 $0x1200, v6;
	[tilespmem:s28+$0x1A980] =	vst v14  }
0x29f: {  	v40 =	vadd.s32 $0x1280, v0;
	v15 =	vld.idx.msk [tilespmem:v34+s20+$0x0], $0xffff;
	[tilespmem:s2+$0x1A980] =	vst v16  }
0x2a0: {  	v41 =	vadd.s32 $0x1280, v1;
	v10 =	vld.idx.msk [tilespmem:v35+s20+$0x0], $0xffff;
	[tilespmem:s3+$0x1A980] =	vst v7  }
0x2a1: {  	v42 =	vadd.s32 $0x1280, v3;
	v8 =	vld.idx.msk [tilespmem:v36+s20+$0x0], $0xffff;
	[tilespmem:s13+$0x1A980] =	vst v9  }
0x2a2: {  	v43 =	vadd.s32 $0x1280, v4;
	v11 =	vld.idx.msk [tilespmem:v37+s20+$0x0], $0xffff;
	[tilespmem:s14+$0x1A980] =	vst v38  }
0x2a3: {  	[tilespmem:s30+$0x1AB80] =	vst v2;
	v44 =	vadd.s32 $0x1280, v5;
	v12 =	vld.idx.msk [tilespmem:v39+s20+$0x0], $0xffff  }
0x2a4: {  	v45 =	vld.idx.msk [tilespmem:v40+s20+$0x0], $0xffff;
	v46 =	vadd.s32 $0x1280, v6;
	[tilespmem:s28+$0x1AA00] =	vst v15  }
0x2a5: {  	v47 =	vadd.s32 $0x1300, v0;
	v16 =	vld.idx.msk [tilespmem:v41+s20+$0x0], $0xffff;
	[tilespmem:s2+$0x1AA00] =	vst v10  }
0x2a6: {  	v48 =	vadd.s32 $0x1300, v1;
	v7 =	vld.idx.msk [tilespmem:v42+s20+$0x0], $0xffff;
	[tilespmem:s3+$0x1AA00] =	vst v8  }
0x2a7: {  	v49 =	vadd.s32 $0x1300, v3;
	v9 =	vld.idx.msk [tilespmem:v43+s20+$0x0], $0xffff;
	[tilespmem:s13+$0x1AA00] =	vst v11  }
0x2a8: {  	v50 =	vadd.s32 $0x1300, v4;
	v2 =	vld.idx.msk [tilespmem:v44+s20+$0x0], $0xffff;
	[tilespmem:s14+$0x1AA00] =	vst v12  }
0x2a9: {  	[tilespmem:s29+$0x1AA80] =	vst v45;
	v51 =	vadd.s32 $0x1300, v5;
	v52 =	vld.idx.msk [tilespmem:v46+s20+$0x0], $0xffff  }
0x2aa: {  	v54 =	vadd.s32 $0x1300, v6;
	v53 =	vld.idx.msk [tilespmem:v47+s20+$0x0], $0xffff;
	[tilespmem:s28+$0x1AA80] =	vst v16  }
0x2ab: {  	v55 =	vadd.s32 $0x1380, v0;
	v10 =	vld.idx.msk [tilespmem:v48+s20+$0x0], $0xffff;
	[tilespmem:s2+$0x1AA80] =	vst v7  }
0x2ac: {  	v56 =	vadd.s32 $0x1380, v1;
	v7 =	vld.idx.msk [tilespmem:v49+s20+$0x0], $0xffff;
	[tilespmem:s3+$0x1AA80] =	vst v9  }
0x2ad: {  	v57 =	vadd.s32 $0x1380, v3;
	v58 =	vld.idx.msk [tilespmem:v50+s20+$0x0], $0xffff;
	[tilespmem:s13+$0x1AA80] =	vst v2  }
0x2ae: {  	v59 =	vadd.s32 $0x1380, v4;
	v60 =	vld.idx.msk [tilespmem:v51+s20+$0x0], $0xffff;
	[tilespmem:s14+$0x1AA80] =	vst v52  }
0x2af: {  	[tilespmem:s29+$0x1AB00] =	vst v53;
	v61 =	vadd.s32 $0x1380, v5;
	v62 =	vld.idx.msk [tilespmem:v54+s20+$0x0], $0xffff  }
0x2b0: {  	v6 =	vadd.s32 $0x1380, v6;
	v0 =	vld.idx.msk [tilespmem:v55+s20+$0x0], $0xffff;
	[tilespmem:s28+$0x1AB00] =	vst v10  }
0x2b1: {  	v1 =	vld.idx.msk [tilespmem:v56+s20+$0x0], $0xffff;
	[tilespmem:s2+$0x1AB00] =	vst v7  }
0x2b2: {  	v3 =	vld.idx.msk [tilespmem:v57+s20+$0x0], $0xffff;
	[tilespmem:s3+$0x1AB00] =	vst v58  }
0x2b3: {  	v2 =	vld.idx.msk [tilespmem:v59+s20+$0x0], $0xffff;
	[tilespmem:s13+$0x1AB00] =	vst v60  }
0x2b4: {  	v4 =	vld.idx.msk [tilespmem:v61+s20+$0x0], $0xffff;
	[tilespmem:s14+$0x1AB00] =	vst v62  }
0x2b5: {  	[tilespmem:s29+$0x1AB80] =	vst v0;
	v63 =	vld.idx.msk [tilespmem:v6+s20+$0x0], $0xffff  }
0x2b6: {  	[tilespmem:s28+$0x1AB80] =	vst v1  }
.Ltmp9:
0x2b7: {  	[tilespmem:s2+$0x1AB80] =	vst v3;
	(pc) =	sbr.rel .LBB2_12-.Ltmp9, $4  }
0x2b8: {  	[tilespmem:s3+$0x1AB80] =	vst v2  }
0x2b9: {  	s30 =	sshll.u32 s26, $0xC;
	s4 =	rddreg [dreg:$0x2];
	[tilespmem:s13+$0x1AB80] =	vst v4  }
0x2ba: {  	s31 =	simm.s32 $0x16800;
	s0 =	sadd.s32 s4, s30;
	[tilespmem:s14+$0x1AB80] =	vst v63  }
0x2bb: {  	[hbm4b:s0+s5] =	stream.linear.scatter [tilespmem:s31], [sflag:$0x6], $0x8000, $0x38;
	[tilespmem:$0x1E800] =	vst v63  }
.LBB2_14:
0x2bc: {  	_ =	sfence.sel $0x180000  }
0x2bd: {  	[bflag:$0x0] =	sbarrier.arrive $0xFFFF  }
0x2be: {  	_ =	strace $0x90000047  }
0x2bf: {  	s0 =	stileid.u32;
	[bflag:$0x2] =	sbarrier.arrive $0xFFFF  }
0x2c0: {  	p0 =	sne.s32 s0, $0x0;
	s0 =	rddreg [dreg:$0x3]  }
0x2c1: {  	s0 =	sadd.s32 @!p0 $0x100000, s0  }
0x2c2: {  	[sflag:s0] =	ssyncadd.tile.s32 @!p0 $0x1;
	_ =	shalt  }
.Lfunc_end2:
_tile_overlayer_lowered:
.L_overlay_start_2:
0x2c3: {  	(tag) =	ssettag $0x2  }
0x2c4: {  	s0 =	rddreg [dreg:$0x0];
	s2 =	stileid.u32  }
0x2c5: {  	s1 =	rddreg [dreg:$0x1];
	p0 =	sne.s32 s2, $0x0  }
0x2c6: {  	s3 =	rddreg [dreg:$0x2];
	[bflag:$0x3] =	sbarrier.arrive $0xFFFF;
	s2 =	simm.s32 @!p0 $0x1C07  }
0x2c7: {  	[timem:s3], [sflag:s2] =	dma.local @!p0 [hbm:s0], s1  }
0x2c8: {  	s0 =	simm.s32 @!p0 $0x7  }
0x2c9: {  	_ =	swait.ge @!p0 [sflag:s0], s1  }
0x2ca: {  	s1 =	ssub.s32 @!p0 $0x0, s1;
	[sflag:s0] =	ssyncset.done @!p0 $0x0  }
0x2cb: {  	[sflag:s0] =	ssyncadd.s32 @!p0 s1  }
0x2cc: {  	[bflag:$0x3] =	sbarrier.arrive $0xFFFF  }
0x2cd: {  	_ =	shalt  }

</sc_bundles>
